<compile_context>
chip_gen: v7x
topology: tpu7x:2x2x1
jax: 0.10.2.dev20260603
libtpu: 0.0.44.dev20260713+nightly
codegen_flags: <defaults>
</compile_context>

<pallas_src>
import functools

import jax
import jax.numpy as jnp
from jax import lax
from jax.experimental import pallas as pl
from jax.experimental.pallas import tpu as pltpu
from jax.experimental.pallas import tpu_sc as plsc


def _qk_body(x_ref, wv_ref, wqt_ref, wkt_ref, bv_ref, bq_ref, bk_ref,
             out_ref):
    d = wqt_ref.shape[1]
    wqk = jnp.transpose(jnp.concatenate(
        [wqt_ref[...], wkt_ref[...], jnp.zeros((6, d), jnp.float32)],
        axis=0))
    w2 = jnp.dot(wv_ref[...], wqk, preferred_element_type=jnp.float32)
    bqk = jnp.concatenate(
        [bq_ref[...], bk_ref[...], jnp.zeros((6, 1), jnp.float32)], axis=0)
    b2 = lax.dot_general(
        wqk, bv_ref[...], (((0,), (1,)), ((), ())),
        preferred_element_type=jnp.float32) + bqk
    n = x_ref.shape[0]
    out_ref[:, :n] = lax.dot_general(
        w2, x_ref[...], (((0,), (1,)), ((), ())),
        preferred_element_type=jnp.float32) + b2


def _make_edge_kernel(n_tiles, n_edges, n_chunks, chunks_per_worker):
    mesh = plsc.VectorSubcoreMesh(
        core_axis_name="c", subcore_axis_name="s", num_cores=1)
    num_cores = 1
    epw = chunks_per_worker * 128

    @functools.partial(
        pl.kernel,
        mesh=mesh,
        out_type=jax.ShapeDtypeStruct((1, n_edges), jnp.float32),
        compiler_params=pltpu.CompilerParams(
            needs_layout_passes=False,
            use_tc_tiling_on_sc=False,
        ),
        scratch_types=[
            pltpu.VMEM((n_tiles, 2, 128), jnp.float32),
            pltpu.VMEM((chunks_per_worker, 2, 128), jnp.int32),
            pltpu.VMEM((epw,), jnp.float32),
            pltpu.SemaphoreType.DMA,
            pltpu.SemaphoreType.DMA,
        ],
    )
    def edge_kernel(qk_hbm, ei_hbm, out_hbm, qk_v, ei_v, out_v, sem, sem2):
        wid = lax.axis_index("s") * num_cores + lax.axis_index("c")
        base_c = jnp.minimum(
            wid * chunks_per_worker, n_chunks - chunks_per_worker)
        half_c = chunks_per_worker // 2
        half_e = half_c * 128
        cp_qk = pltpu.async_copy(qk_hbm.at[:, 0:2, :], qk_v, sem)
        cp_e0 = pltpu.async_copy(
            ei_hbm.at[pl.ds(base_c, half_c)], ei_v.at[:half_c], sem)
        cp_e1 = pltpu.async_copy(
            ei_hbm.at[pl.ds(base_c + half_c, half_c)],
            ei_v.at[half_c:], sem2)
        cp_qk.wait()
        cp_e0.wait()
        zero16 = jnp.zeros((16,), jnp.int32)
        one16 = jnp.ones((16,), jnp.int32)

        @plsc.parallel_loop(0, half_e, step=16, unroll=8)
        def _(off):
            c = off >> 7
            p = off & 127
            s_idx = ei_v[c, 0, pl.ds(p, 16)]
            d_idx = ei_v[c, 1, pl.ds(p, 16)]
            e = (plsc.load_gather(qk_v, [s_idx >> 7, zero16, s_idx & 127])
                 + plsc.load_gather(qk_v, [d_idx >> 7, one16, d_idx & 127]))
            out_v[pl.ds(off, 16)] = jnp.where(e > 0, e, 0.2 * e)

        cp_o0 = pltpu.async_copy(
            out_v.at[:half_e], out_hbm.at[0, pl.ds(base_c * 128, half_e)],
            sem)
        cp_e1.wait()

        @plsc.parallel_loop(half_e, epw, step=16, unroll=8)
        def _(off):
            c = off >> 7
            p = off & 127
            s_idx = ei_v[c, 0, pl.ds(p, 16)]
            d_idx = ei_v[c, 1, pl.ds(p, 16)]
            e = (plsc.load_gather(qk_v, [s_idx >> 7, zero16, s_idx & 127])
                 + plsc.load_gather(qk_v, [d_idx >> 7, one16, d_idx & 127]))
            out_v[pl.ds(off, 16)] = jnp.where(e > 0, e, 0.2 * e)

        cp_o0.wait()
        pltpu.sync_copy(
            out_v.at[half_e:],
            out_hbm.at[0, pl.ds(base_c * 128 + half_e, half_e)])

    return edge_kernel


def kernel(x, edge_index, Wv, bv, Wq, bq, Wk, bk):
    n, d_in = x.shape
    e = edge_index.shape[1]

    n_tiles = (n + 127) // 128
    np_ = n_tiles * 128
    qk = pl.pallas_call(
        _qk_body,
        out_shape=jax.ShapeDtypeStruct((8, np_), jnp.float32),
    )(x, Wv, Wq.reshape(1, -1), Wk.reshape(1, -1),
      bv.reshape(1, d_in), bq.reshape(1, 1), bk.reshape(1, 1))
    qk3 = qk.reshape(8, n_tiles, 128).transpose(1, 0, 2)

    ei = edge_index.astype(jnp.int32)
    n_chunks = e // 128
    ei3 = ei.reshape(2, n_chunks, 128).transpose(1, 0, 2)

    n_workers = 16
    cpw = -(-n_chunks // n_workers)
    cpw += cpw % 2
    edge_kernel = _make_edge_kernel(n_tiles, e, n_chunks, cpw)
    return edge_kernel(qk3, ei3).T

# --- scband reference (transcript-rebuilt; emitter-appended) ---
"""Pipeline reference for scband-gatlayer-44736379355547 (READ-ONLY COPY).

The authoritative reference and input builder live on the scoring server;
editing this copy changes nothing except your own understanding.
"""

import jax, jax.numpy as jnp
import numpy as np

N = 10000
E = 320000
D_IN = 128
D_OUT = 128


def setup_inputs(seed: int = 0) -> dict:
    key = jax.random.key(seed)
    ks = jax.random.split(key, 8)
    x = jax.random.normal(ks[0], (N, D_IN), dtype=jnp.float32)
    edge_index = jax.random.randint(ks[1], (2, E), 0, N, dtype=jnp.int64)
    s_v = 1.0 / np.sqrt(D_IN)
    s_qk = 1.0 / np.sqrt(D_OUT)
    Wv = jax.random.uniform(ks[2], (D_IN, D_OUT), jnp.float32, -s_v, s_v)
    bv = jax.random.uniform(ks[3], (D_OUT,), jnp.float32, -s_v, s_v)
    Wq = jax.random.uniform(ks[4], (D_OUT, 1), jnp.float32, -s_qk, s_qk)
    bq = jax.random.uniform(ks[5], (1,), jnp.float32, -s_qk, s_qk)
    Wk = jax.random.uniform(ks[6], (D_OUT, 1), jnp.float32, -s_qk, s_qk)
    bk = jax.random.uniform(ks[7], (1,), jnp.float32, -s_qk, s_qk)
    return {"x": x, "edge_index": edge_index, "Wv": Wv, "bv": bv, "Wq": Wq, "bq": bq, "Wk": Wk, "bk": bk}


def reference(x, edge_index, Wv, bv, Wq, bq, Wk, bk):
    # h = linear_v(x)
    h = x @ Wv + bv                      # [N, D_OUT]
    # q = linear_q(h), k = linear_k(h)
    q = h @ Wq + bq                      # [N, 1] -> 'el' on src nodes
    k = h @ Wk + bk                      # [N, 1] -> 'er' on dst nodes
    src = edge_index[0]
    dst = edge_index[1]
    # u_add_v('el', 'er', 'e'): per-edge gather + add
    e = jnp.take(q, src, axis=0) + jnp.take(k, dst, axis=0)   # [E, 1]
    # leaky_relu(negative_slope=0.2)
    coeff = jnp.where(e > 0, e, 0.2 * e)
    return coeff

if __name__ == "__main__":
    import jax
    _d = setup_inputs()
    print(jax.jit(kernel)(*tuple(_d.values())))

</pallas_src>

<mosaic_0001>
#map = affine_map<(d0, d1) -> (0, 0, 0)>
#map1 = affine_map<(d0, d1) -> (0, 0)>
module attributes {stable_mosaic.version = 14 : i64} {
  func.func @edge_kernel(%arg0: i32, %arg1: i32, %arg2: memref<79x8x128xf32, #tpu.memory_space<hbm>>, %arg3: memref<2500x2x128xi32, #tpu.memory_space<hbm>>, %arg4: memref<1x320000xf32, #tpu.memory_space<hbm>>, %arg5: memref<79x2x128xf32, #tpu.memory_space<vmem>>, %arg6: memref<158x2x128xi32, #tpu.memory_space<vmem>>, %arg7: memref<20224xf32, #tpu.memory_space<vmem>>, %arg8: memref<!tpu.dma_semaphore, #tpu.memory_space<semaphore_mem>>, %arg9: memref<!tpu.dma_semaphore, #tpu.memory_space<semaphore_mem>>) attributes {dimension_semantics = [#tpu.dimension_semantics<core_parallel>, #tpu.dimension_semantics<subcore_parallel>], iteration_bounds = array<i64: 1, 16>, scalar_prefetch = 0 : i64, scratch_operands = 5 : i64, tpu.core_type = #tpu.core_type<sc_vector_subcore>, window_params = [{transform_indices = #map}, {transform_indices = #map}, {transform_indices = #map1}]} {
    %mul3A = arith.constant 1 : i32
    %mul3A_0 = arith.muli %arg1, %mul3A : i32
    %add3A = arith.addi %mul3A_0, %arg0 : i32
    %mul3A_1 = arith.constant 158 : i32
    %mul3A_2 = arith.muli %add3A, %mul3A_1 : i32
    %min3A = arith.constant 2342 : i32
    %min3A_3 = arith.minsi %mul3A_2, %min3A : i32
    %dma_start3A = arith.constant 0 : i32
    %dma_start3A_4 = arith.constant 0 : i32
    %dma_start3A_5 = arith.constant 0 : i32
    %dma_start3A_6 = tpu.memref_slice %arg2[%dma_start3A, %dma_start3A_4, %dma_start3A_5] : memref<79x8x128xf32, #tpu.memory_space<hbm>> -> memref<79x2x128xf32, #tpu.memory_space<hbm>>
    %dma_start3A_7 = arith.constant 0 : i32
    %dma_start3A_8 = arith.constant 0 : i32
    %dma_start3A_9 = arith.constant 0 : i32
    %dma_start3A_10 = tpu.memref_slice %arg2[%dma_start3A_7, %dma_start3A_8, %dma_start3A_9] : memref<79x8x128xf32, #tpu.memory_space<hbm>> -> memref<79x2x128xf32, #tpu.memory_space<hbm>>
    tpu.enqueue_dma source(%dma_start3A_10 : memref<79x2x128xf32, #tpu.memory_space<hbm>>) target(%arg5 : memref<79x2x128xf32, #tpu.memory_space<vmem>>) target_semaphore(%arg8 : memref<!tpu.dma_semaphore, #tpu.memory_space<semaphore_mem>>)
    %dma_start3A_11 = arith.constant 0 : i32
    %dma_start3A_12 = arith.constant 0 : i32
    %dma_start3A_13 = arith.constant 0 : i32
    %dma_start3A_14 = tpu.memref_slice %arg6[%dma_start3A_11, %dma_start3A_12, %dma_start3A_13] : memref<158x2x128xi32, #tpu.memory_space<vmem>> -> memref<79x2x128xi32, #tpu.memory_space<vmem>>
    %dma_start3A_15 = arith.constant 0 : i32
    %dma_start3A_16 = arith.constant 0 : i32
    %dma_start3A_17 = tpu.memref_slice %arg3[%min3A_3, %dma_start3A_15, %dma_start3A_16] : memref<2500x2x128xi32, #tpu.memory_space<hbm>> -> memref<79x2x128xi32, #tpu.memory_space<hbm>>
    %dma_start3A_18 = arith.constant 0 : i32
    %dma_start3A_19 = arith.constant 0 : i32
    %dma_start3A_20 = arith.constant 0 : i32
    %dma_start3A_21 = tpu.memref_slice %arg6[%dma_start3A_18, %dma_start3A_19, %dma_start3A_20] : memref<158x2x128xi32, #tpu.memory_space<vmem>> -> memref<79x2x128xi32, #tpu.memory_space<vmem>>
    %dma_start3A_22 = arith.constant 0 : i32
    %dma_start3A_23 = arith.constant 0 : i32
    %dma_start3A_24 = tpu.memref_slice %arg3[%min3A_3, %dma_start3A_22, %dma_start3A_23] : memref<2500x2x128xi32, #tpu.memory_space<hbm>> -> memref<79x2x128xi32, #tpu.memory_space<hbm>>
    tpu.enqueue_dma source(%dma_start3A_24 : memref<79x2x128xi32, #tpu.memory_space<hbm>>) target(%dma_start3A_21 : memref<79x2x128xi32, #tpu.memory_space<vmem>>) target_semaphore(%arg8 : memref<!tpu.dma_semaphore, #tpu.memory_space<semaphore_mem>>)
    %add3A_25 = arith.constant 79 : i32
    %add3A_26 = arith.addi %min3A_3, %add3A_25 : i32
    %dma_start3A_27 = arith.constant 79 : i32
    %dma_start3A_28 = arith.constant 0 : i32
    %dma_start3A_29 = arith.constant 0 : i32
    %dma_start3A_30 = tpu.memref_slice %arg6[%dma_start3A_27, %dma_start3A_28, %dma_start3A_29] : memref<158x2x128xi32, #tpu.memory_space<vmem>> -> memref<79x2x128xi32, #tpu.memory_space<vmem>>
    %dma_start3A_31 = arith.constant 0 : i32
    %dma_start3A_32 = arith.constant 0 : i32
    %dma_start3A_33 = tpu.memref_slice %arg3[%add3A_26, %dma_start3A_31, %dma_start3A_32] : memref<2500x2x128xi32, #tpu.memory_space<hbm>> -> memref<79x2x128xi32, #tpu.memory_space<hbm>>
    %dma_start3A_34 = arith.constant 79 : i32
    %dma_start3A_35 = arith.constant 0 : i32
    %dma_start3A_36 = arith.constant 0 : i32
    %dma_start3A_37 = tpu.memref_slice %arg6[%dma_start3A_34, %dma_start3A_35, %dma_start3A_36] : memref<158x2x128xi32, #tpu.memory_space<vmem>> -> memref<79x2x128xi32, #tpu.memory_space<vmem>>
    %dma_start3A_38 = arith.constant 0 : i32
    %dma_start3A_39 = arith.constant 0 : i32
    %dma_start3A_40 = tpu.memref_slice %arg3[%add3A_26, %dma_start3A_38, %dma_start3A_39] : memref<2500x2x128xi32, #tpu.memory_space<hbm>> -> memref<79x2x128xi32, #tpu.memory_space<hbm>>
    tpu.enqueue_dma source(%dma_start3A_40 : memref<79x2x128xi32, #tpu.memory_space<hbm>>) target(%dma_start3A_37 : memref<79x2x128xi32, #tpu.memory_space<vmem>>) target_semaphore(%arg9 : memref<!tpu.dma_semaphore, #tpu.memory_space<semaphore_mem>>)
    %dma_wait3A = arith.constant 0 : i32
    %dma_wait3A_41 = arith.constant 0 : i32
    %dma_wait3A_42 = arith.constant 0 : i32
    %dma_wait3A_43 = tpu.memref_slice %arg2[%dma_wait3A, %dma_wait3A_41, %dma_wait3A_42] : memref<79x8x128xf32, #tpu.memory_space<hbm>> -> memref<79x2x128xf32, #tpu.memory_space<hbm>>
    %dma_wait3A_44 = arith.constant 0 : i32
    %dma_wait3A_45 = arith.constant 0 : i32
    %dma_wait3A_46 = arith.constant 0 : i32
    %dma_wait3A_47 = tpu.memref_slice %arg2[%dma_wait3A_44, %dma_wait3A_45, %dma_wait3A_46] : memref<79x8x128xf32, #tpu.memory_space<hbm>> -> memref<79x2x128xf32, #tpu.memory_space<hbm>>
    tpu.wait_dma2 semaphore(%arg8 : memref<!tpu.dma_semaphore, #tpu.memory_space<semaphore_mem>>) src(%dma_wait3A_47 : memref<79x2x128xf32, #tpu.memory_space<hbm>>) dst(%arg5 : memref<79x2x128xf32, #tpu.memory_space<vmem>>)
    %dma_wait3A_48 = arith.constant 0 : i32
    %dma_wait3A_49 = arith.constant 0 : i32
    %dma_wait3A_50 = arith.constant 0 : i32
    %dma_wait3A_51 = tpu.memref_slice %arg6[%dma_wait3A_48, %dma_wait3A_49, %dma_wait3A_50] : memref<158x2x128xi32, #tpu.memory_space<vmem>> -> memref<79x2x128xi32, #tpu.memory_space<vmem>>
    %dma_wait3A_52 = arith.constant 0 : i32
    %dma_wait3A_53 = arith.constant 0 : i32
    %dma_wait3A_54 = tpu.memref_slice %arg3[%min3A_3, %dma_wait3A_52, %dma_wait3A_53] : memref<2500x2x128xi32, #tpu.memory_space<hbm>> -> memref<79x2x128xi32, #tpu.memory_space<hbm>>
    %dma_wait3A_55 = arith.constant 0 : i32
    %dma_wait3A_56 = arith.constant 0 : i32
    %dma_wait3A_57 = arith.constant 0 : i32
    %dma_wait3A_58 = tpu.memref_slice %arg6[%dma_wait3A_55, %dma_wait3A_56, %dma_wait3A_57] : memref<158x2x128xi32, #tpu.memory_space<vmem>> -> memref<79x2x128xi32, #tpu.memory_space<vmem>>
    %dma_wait3A_59 = arith.constant 0 : i32
    %dma_wait3A_60 = arith.constant 0 : i32
    %dma_wait3A_61 = tpu.memref_slice %arg3[%min3A_3, %dma_wait3A_59, %dma_wait3A_60] : memref<2500x2x128xi32, #tpu.memory_space<hbm>> -> memref<79x2x128xi32, #tpu.memory_space<hbm>>
    tpu.wait_dma2 semaphore(%arg8 : memref<!tpu.dma_semaphore, #tpu.memory_space<semaphore_mem>>) src(%dma_wait3A_61 : memref<79x2x128xi32, #tpu.memory_space<hbm>>) dst(%dma_wait3A_58 : memref<79x2x128xi32, #tpu.memory_space<vmem>>)
    %broadcast_in_dim3A = arith.constant 0 : i32
    %broadcast_in_dim3A_62 = vector.broadcast %broadcast_in_dim3A : i32 to vector<16xi32>
    %broadcast_in_dim3A_63 = arith.constant 1 : i32
    %broadcast_in_dim3A_64 = vector.broadcast %broadcast_in_dim3A_63 : i32 to vector<16xi32>
    %parallel_loop3A = arith.constant 0 : i32
    %parallel_loop3A_65 = arith.constant 10112 : i32
    %parallel_loop3A_66 = arith.constant 16 : i32
    scf.for %parallel_loop3A_108 = %parallel_loop3A to %parallel_loop3A_65 step %parallel_loop3A_66  : i32 {
      %parallel_loop3A_109 = arith.constant 7 : i32
      %parallel_loop3A_110 = arith.shrsi %parallel_loop3A_108, %parallel_loop3A_109 : i32
      %parallel_loop3A_111 = arith.constant 127 : i32
      %parallel_loop3A_112 = arith.andi %parallel_loop3A_108, %parallel_loop3A_111 : i32
      %parallel_loop3A_113 = arith.constant 0 : i32
      %parallel_loop3A_114 = arith.index_cast %parallel_loop3A_110 : i32 to index
      %parallel_loop3A_115 = arith.index_cast %parallel_loop3A_113 : i32 to index
      %parallel_loop3A_116 = arith.index_cast %parallel_loop3A_112 : i32 to index
      %parallel_loop3A_117 = tpu.vector_load %arg6[%parallel_loop3A_114, %parallel_loop3A_115, %parallel_loop3A_116] {strides = array<i32>} : memref<158x2x128xi32, #tpu.memory_space<vmem>>, vector<16xi32>,
      %parallel_loop3A_118 = arith.constant 1 : i32
      %parallel_loop3A_119 = arith.index_cast %parallel_loop3A_110 : i32 to index
      %parallel_loop3A_120 = arith.index_cast %parallel_loop3A_118 : i32 to index
      %parallel_loop3A_121 = arith.index_cast %parallel_loop3A_112 : i32 to index
      %parallel_loop3A_122 = tpu.vector_load %arg6[%parallel_loop3A_119, %parallel_loop3A_120, %parallel_loop3A_121] {strides = array<i32>} : memref<158x2x128xi32, #tpu.memory_space<vmem>>, vector<16xi32>,
      %parallel_loop3A_123 = arith.constant 7 : i32
      %parallel_loop3A_124 = vector.broadcast %parallel_loop3A_123 : i32 to vector<16xi32>
      %parallel_loop3A_125 = arith.shrsi %parallel_loop3A_117, %parallel_loop3A_124 : vector<16xi32>
      %parallel_loop3A_126 = arith.constant 127 : i32
      %parallel_loop3A_127 = vector.broadcast %parallel_loop3A_126 : i32 to vector<16xi32>
      %parallel_loop3A_128 = arith.andi %parallel_loop3A_117, %parallel_loop3A_127 : vector<16xi32>
      %parallel_loop3A_129 = tpu.vector_load_idx %arg5[%parallel_loop3A_125, %broadcast_in_dim3A_62, %parallel_loop3A_128] : memref<79x2x128xf32, #tpu.memory_space<vmem>>[vector<16xi32>, vector<16xi32>, vector<16xi32>], vector<16xf32>,
      %parallel_loop3A_130 = arith.constant 7 : i32
      %parallel_loop3A_131 = vector.broadcast %parallel_loop3A_130 : i32 to vector<16xi32>
      %parallel_loop3A_132 = arith.shrsi %parallel_loop3A_122, %parallel_loop3A_131 : vector<16xi32>
      %parallel_loop3A_133 = arith.constant 127 : i32
      %parallel_loop3A_134 = vector.broadcast %parallel_loop3A_133 : i32 to vector<16xi32>
      %parallel_loop3A_135 = arith.andi %parallel_loop3A_122, %parallel_loop3A_134 : vector<16xi32>
      %parallel_loop3A_136 = tpu.vector_load_idx %arg5[%parallel_loop3A_132, %broadcast_in_dim3A_64, %parallel_loop3A_135] : memref<79x2x128xf32, #tpu.memory_space<vmem>>[vector<16xi32>, vector<16xi32>, vector<16xi32>], vector<16xf32>,
      %parallel_loop3A_137 = arith.addf %parallel_loop3A_129, %parallel_loop3A_136 : vector<16xf32>
      %parallel_loop3A_138 = arith.constant 0.000000e+00 : f32
      %parallel_loop3A_139 = vector.broadcast %parallel_loop3A_138 : f32 to vector<16xf32>
      %parallel_loop3A_140 = arith.cmpf ogt, %parallel_loop3A_137, %parallel_loop3A_139 : vector<16xf32>
      %parallel_loop3A_141 = arith.constant 2.000000e-01 : f32
      %parallel_loop3A_142 = vector.broadcast %parallel_loop3A_141 : f32 to vector<16xf32>
      %parallel_loop3A_143 = arith.mulf %parallel_loop3A_142, %parallel_loop3A_137 : vector<16xf32>
      %parallel_loop3A_144 = arith.select %parallel_loop3A_140, %parallel_loop3A_137, %parallel_loop3A_143 : vector<16xi1>, vector<16xf32>
      %parallel_loop3A_145 = arith.index_cast %parallel_loop3A_108 : i32 to index
      %parallel_loop3A_146 = tpu.vector_load %arg7[%parallel_loop3A_145] {strides = array<i32>} : memref<20224xf32, #tpu.memory_space<vmem>>, vector<16xf32>,
      tpu.vector_store %arg7[%parallel_loop3A_145], %parallel_loop3A_144 {strides = array<i32>} : memref<20224xf32, #tpu.memory_space<vmem>>, vector<16xf32>,
    } {sc.loop_unroll_factor = 8 : i64, sc.parallel_access}
    %mul3A_67 = arith.constant 128 : i32
    %mul3A_68 = arith.muli %min3A_3, %mul3A_67 : i32
    %dma_start3A_69 = arith.constant 0 : i32
    %dma_start3A_70 = arith.constant 0 : i32
    %dma_start3A_71 = tpu.memref_slice %arg7[%dma_start3A_70] : memref<20224xf32, #tpu.memory_space<vmem>> -> memref<10112xf32, #tpu.memory_space<vmem>>
    %dma_start3A_72 = tpu.memref_slice %arg4[%dma_start3A_69, %mul3A_68] : memref<1x320000xf32, #tpu.memory_space<hbm>> -> memref<1x10112xf32, #tpu.memory_space<hbm>>
    %dma_start3A_73 = tpu.memref_squeeze %dma_start3A_72 : memref<1x10112xf32, #tpu.memory_space<hbm>> -> memref<10112xf32, #tpu.memory_space<hbm>>
    %dma_start3A_74 = tpu.memref_slice %arg4[%dma_start3A_69, %mul3A_68] : memref<1x320000xf32, #tpu.memory_space<hbm>> -> memref<1x10112xf32, #tpu.memory_space<hbm>>
    %dma_start3A_75 = tpu.memref_squeeze %dma_start3A_74 : memref<1x10112xf32, #tpu.memory_space<hbm>> -> memref<10112xf32, #tpu.memory_space<hbm>>
    %dma_start3A_76 = arith.constant 0 : i32
    %dma_start3A_77 = tpu.memref_slice %arg7[%dma_start3A_76] : memref<20224xf32, #tpu.memory_space<vmem>> -> memref<10112xf32, #tpu.memory_space<vmem>>
    tpu.enqueue_dma source(%dma_start3A_77 : memref<10112xf32, #tpu.memory_space<vmem>>) target(%dma_start3A_75 : memref<10112xf32, #tpu.memory_space<hbm>>) target_semaphore(%arg8 : memref<!tpu.dma_semaphore, #tpu.memory_space<semaphore_mem>>)
    %dma_wait3A_78 = arith.constant 79 : i32
    %dma_wait3A_79 = arith.constant 0 : i32
    %dma_wait3A_80 = arith.constant 0 : i32
    %dma_wait3A_81 = tpu.memref_slice %arg6[%dma_wait3A_78, %dma_wait3A_79, %dma_wait3A_80] : memref<158x2x128xi32, #tpu.memory_space<vmem>> -> memref<79x2x128xi32, #tpu.memory_space<vmem>>
    %dma_wait3A_82 = arith.constant 0 : i32
    %dma_wait3A_83 = arith.constant 0 : i32
    %dma_wait3A_84 = tpu.memref_slice %arg3[%add3A_26, %dma_wait3A_82, %dma_wait3A_83] : memref<2500x2x128xi32, #tpu.memory_space<hbm>> -> memref<79x2x128xi32, #tpu.memory_space<hbm>>
    %dma_wait3A_85 = arith.constant 79 : i32
    %dma_wait3A_86 = arith.constant 0 : i32
    %dma_wait3A_87 = arith.constant 0 : i32
    %dma_wait3A_88 = tpu.memref_slice %arg6[%dma_wait3A_85, %dma_wait3A_86, %dma_wait3A_87] : memref<158x2x128xi32, #tpu.memory_space<vmem>> -> memref<79x2x128xi32, #tpu.memory_space<vmem>>
    %dma_wait3A_89 = arith.constant 0 : i32
    %dma_wait3A_90 = arith.constant 0 : i32
    %dma_wait3A_91 = tpu.memref_slice %arg3[%add3A_26, %dma_wait3A_89, %dma_wait3A_90] : memref<2500x2x128xi32, #tpu.memory_space<hbm>> -> memref<79x2x128xi32, #tpu.memory_space<hbm>>
    tpu.wait_dma2 semaphore(%arg9 : memref<!tpu.dma_semaphore, #tpu.memory_space<semaphore_mem>>) src(%dma_wait3A_91 : memref<79x2x128xi32, #tpu.memory_space<hbm>>) dst(%dma_wait3A_88 : memref<79x2x128xi32, #tpu.memory_space<vmem>>)
    %parallel_loop3A_92 = arith.constant 10112 : i32
    %parallel_loop3A_93 = arith.constant 20224 : i32
    %parallel_loop3A_94 = arith.constant 16 : i32
    scf.for %parallel_loop3A_108 = %parallel_loop3A_92 to %parallel_loop3A_93 step %parallel_loop3A_94  : i32 {
      %parallel_loop3A_109 = arith.constant 7 : i32
      %parallel_loop3A_110 = arith.shrsi %parallel_loop3A_108, %parallel_loop3A_109 : i32
      %parallel_loop3A_111 = arith.constant 127 : i32
      %parallel_loop3A_112 = arith.andi %parallel_loop3A_108, %parallel_loop3A_111 : i32
      %parallel_loop3A_113 = arith.constant 0 : i32
      %parallel_loop3A_114 = arith.index_cast %parallel_loop3A_110 : i32 to index
      %parallel_loop3A_115 = arith.index_cast %parallel_loop3A_113 : i32 to index
      %parallel_loop3A_116 = arith.index_cast %parallel_loop3A_112 : i32 to index
      %parallel_loop3A_117 = tpu.vector_load %arg6[%parallel_loop3A_114, %parallel_loop3A_115, %parallel_loop3A_116] {strides = array<i32>} : memref<158x2x128xi32, #tpu.memory_space<vmem>>, vector<16xi32>,
      %parallel_loop3A_118 = arith.constant 1 : i32
      %parallel_loop3A_119 = arith.index_cast %parallel_loop3A_110 : i32 to index
      %parallel_loop3A_120 = arith.index_cast %parallel_loop3A_118 : i32 to index
      %parallel_loop3A_121 = arith.index_cast %parallel_loop3A_112 : i32 to index
      %parallel_loop3A_122 = tpu.vector_load %arg6[%parallel_loop3A_119, %parallel_loop3A_120, %parallel_loop3A_121] {strides = array<i32>} : memref<158x2x128xi32, #tpu.memory_space<vmem>>, vector<16xi32>,
      %parallel_loop3A_123 = arith.constant 7 : i32
      %parallel_loop3A_124 = vector.broadcast %parallel_loop3A_123 : i32 to vector<16xi32>
      %parallel_loop3A_125 = arith.shrsi %parallel_loop3A_117, %parallel_loop3A_124 : vector<16xi32>
      %parallel_loop3A_126 = arith.constant 127 : i32
      %parallel_loop3A_127 = vector.broadcast %parallel_loop3A_126 : i32 to vector<16xi32>
      %parallel_loop3A_128 = arith.andi %parallel_loop3A_117, %parallel_loop3A_127 : vector<16xi32>
      %parallel_loop3A_129 = tpu.vector_load_idx %arg5[%parallel_loop3A_125, %broadcast_in_dim3A_62, %parallel_loop3A_128] : memref<79x2x128xf32, #tpu.memory_space<vmem>>[vector<16xi32>, vector<16xi32>, vector<16xi32>], vector<16xf32>,
      %parallel_loop3A_130 = arith.constant 7 : i32
      %parallel_loop3A_131 = vector.broadcast %parallel_loop3A_130 : i32 to vector<16xi32>
      %parallel_loop3A_132 = arith.shrsi %parallel_loop3A_122, %parallel_loop3A_131 : vector<16xi32>
      %parallel_loop3A_133 = arith.constant 127 : i32
      %parallel_loop3A_134 = vector.broadcast %parallel_loop3A_133 : i32 to vector<16xi32>
      %parallel_loop3A_135 = arith.andi %parallel_loop3A_122, %parallel_loop3A_134 : vector<16xi32>
      %parallel_loop3A_136 = tpu.vector_load_idx %arg5[%parallel_loop3A_132, %broadcast_in_dim3A_64, %parallel_loop3A_135] : memref<79x2x128xf32, #tpu.memory_space<vmem>>[vector<16xi32>, vector<16xi32>, vector<16xi32>], vector<16xf32>,
      %parallel_loop3A_137 = arith.addf %parallel_loop3A_129, %parallel_loop3A_136 : vector<16xf32>
      %parallel_loop3A_138 = arith.constant 0.000000e+00 : f32
      %parallel_loop3A_139 = vector.broadcast %parallel_loop3A_138 : f32 to vector<16xf32>
      %parallel_loop3A_140 = arith.cmpf ogt, %parallel_loop3A_137, %parallel_loop3A_139 : vector<16xf32>
      %parallel_loop3A_141 = arith.constant 2.000000e-01 : f32
      %parallel_loop3A_142 = vector.broadcast %parallel_loop3A_141 : f32 to vector<16xf32>
      %parallel_loop3A_143 = arith.mulf %parallel_loop3A_142, %parallel_loop3A_137 : vector<16xf32>
      %parallel_loop3A_144 = arith.select %parallel_loop3A_140, %parallel_loop3A_137, %parallel_loop3A_143 : vector<16xi1>, vector<16xf32>
      %parallel_loop3A_145 = arith.index_cast %parallel_loop3A_108 : i32 to index
      %parallel_loop3A_146 = tpu.vector_load %arg7[%parallel_loop3A_145] {strides = array<i32>} : memref<20224xf32, #tpu.memory_space<vmem>>, vector<16xf32>,
      tpu.vector_store %arg7[%parallel_loop3A_145], %parallel_loop3A_144 {strides = array<i32>} : memref<20224xf32, #tpu.memory_space<vmem>>, vector<16xf32>,
    } {sc.loop_unroll_factor = 8 : i64, sc.parallel_access}
    %dma_wait3A_95 = arith.constant 0 : i32
    %dma_wait3A_96 = arith.constant 0 : i32
    %dma_wait3A_97 = tpu.memref_slice %arg7[%dma_wait3A_96] : memref<20224xf32, #tpu.memory_space<vmem>> -> memref<10112xf32, #tpu.memory_space<vmem>>
    %dma_wait3A_98 = tpu.memref_slice %arg4[%dma_wait3A_95, %mul3A_68] : memref<1x320000xf32, #tpu.memory_space<hbm>> -> memref<1x10112xf32, #tpu.memory_space<hbm>>
    %dma_wait3A_99 = tpu.memref_squeeze %dma_wait3A_98 : memref<1x10112xf32, #tpu.memory_space<hbm>> -> memref<10112xf32, #tpu.memory_space<hbm>>
    %dma_wait3A_100 = tpu.memref_slice %arg4[%dma_wait3A_95, %mul3A_68] : memref<1x320000xf32, #tpu.memory_space<hbm>> -> memref<1x10112xf32, #tpu.memory_space<hbm>>
    %dma_wait3A_101 = tpu.memref_squeeze %dma_wait3A_100 : memref<1x10112xf32, #tpu.memory_space<hbm>> -> memref<10112xf32, #tpu.memory_space<hbm>>
    %dma_wait3A_102 = arith.constant 0 : i32
    %dma_wait3A_103 = tpu.memref_slice %arg7[%dma_wait3A_102] : memref<20224xf32, #tpu.memory_space<vmem>> -> memref<10112xf32, #tpu.memory_space<vmem>>
    tpu.wait_dma2 semaphore(%arg8 : memref<!tpu.dma_semaphore, #tpu.memory_space<semaphore_mem>>) src(%dma_wait3A_103 : memref<10112xf32, #tpu.memory_space<vmem>>) dst(%dma_wait3A_101 : memref<10112xf32, #tpu.memory_space<hbm>>)
    %mul3A_104 = arith.constant 128 : i32
    %mul3A_105 = arith.muli %min3A_3, %mul3A_104 : i32
    %add3A_106 = arith.constant 10112 : i32
    %add3A_107 = arith.addi %mul3A_105, %add3A_106 : i32
    %run_scoped3A = arith.constant 0 : i32
    "tpu.region"() ({
      %run_scoped3A_108 = tpu.sem_alloc : memref<!tpu.dma_semaphore, #tpu.memory_space<semaphore_mem>>
      %dma_start3A_109 = arith.constant 10112 : i32
      %dma_start3A_110 = tpu.memref_slice %arg7[%dma_start3A_109] : memref<20224xf32, #tpu.memory_space<vmem>> -> memref<10112xf32, #tpu.memory_space<vmem>>
      %dma_start3A_111 = tpu.memref_slice %arg4[%run_scoped3A, %add3A_107] : memref<1x320000xf32, #tpu.memory_space<hbm>> -> memref<1x10112xf32, #tpu.memory_space<hbm>>
      %dma_start3A_112 = tpu.memref_squeeze %dma_start3A_111 : memref<1x10112xf32, #tpu.memory_space<hbm>> -> memref<10112xf32, #tpu.memory_space<hbm>>
      %dma_start3A_113 = tpu.memref_slice %arg4[%run_scoped3A, %add3A_107] : memref<1x320000xf32, #tpu.memory_space<hbm>> -> memref<1x10112xf32, #tpu.memory_space<hbm>>
      %dma_start3A_114 = tpu.memref_squeeze %dma_start3A_113 : memref<1x10112xf32, #tpu.memory_space<hbm>> -> memref<10112xf32, #tpu.memory_space<hbm>>
      %dma_start3A_115 = arith.constant 10112 : i32
      %dma_start3A_116 = tpu.memref_slice %arg7[%dma_start3A_115] : memref<20224xf32, #tpu.memory_space<vmem>> -> memref<10112xf32, #tpu.memory_space<vmem>>
      tpu.enqueue_dma source(%dma_start3A_116 : memref<10112xf32, #tpu.memory_space<vmem>>) target(%dma_start3A_114 : memref<10112xf32, #tpu.memory_space<hbm>>) target_semaphore(%run_scoped3A_108 : memref<!tpu.dma_semaphore, #tpu.memory_space<semaphore_mem>>)
      %dma_wait3A_117 = arith.constant 10112 : i32
      %dma_wait3A_118 = tpu.memref_slice %arg7[%dma_wait3A_117] : memref<20224xf32, #tpu.memory_space<vmem>> -> memref<10112xf32, #tpu.memory_space<vmem>>
      %dma_wait3A_119 = tpu.memref_slice %arg4[%run_scoped3A, %add3A_107] : memref<1x320000xf32, #tpu.memory_space<hbm>> -> memref<1x10112xf32, #tpu.memory_space<hbm>>
      %dma_wait3A_120 = tpu.memref_squeeze %dma_wait3A_119 : memref<1x10112xf32, #tpu.memory_space<hbm>> -> memref<10112xf32, #tpu.memory_space<hbm>>
      %dma_wait3A_121 = tpu.memref_slice %arg4[%run_scoped3A, %add3A_107] : memref<1x320000xf32, #tpu.memory_space<hbm>> -> memref<1x10112xf32, #tpu.memory_space<hbm>>
      %dma_wait3A_122 = tpu.memref_squeeze %dma_wait3A_121 : memref<1x10112xf32, #tpu.memory_space<hbm>> -> memref<10112xf32, #tpu.memory_space<hbm>>
      %dma_wait3A_123 = arith.constant 10112 : i32
      %dma_wait3A_124 = tpu.memref_slice %arg7[%dma_wait3A_123] : memref<20224xf32, #tpu.memory_space<vmem>> -> memref<10112xf32, #tpu.memory_space<vmem>>
      tpu.wait_dma2 semaphore(%run_scoped3A_108 : memref<!tpu.dma_semaphore, #tpu.memory_space<semaphore_mem>>) src(%dma_wait3A_124 : memref<10112xf32, #tpu.memory_space<vmem>>) dst(%dma_wait3A_122 : memref<10112xf32, #tpu.memory_space<hbm>>)
      tpu.yield
    }) : () -> ()
    return
  }
}

module attributes {stable_mosaic.version = 14 : i64} {
  func.func @_qk_body(%arg0: memref<10000x128xf32, #tpu.memory_space<vmem>>, %arg1: memref<128x128xf32, #tpu.memory_space<vmem>>, %arg2: memref<1x128xf32, #tpu.memory_space<vmem>>, %arg3: memref<1x128xf32, #tpu.memory_space<vmem>>, %arg4: memref<1x128xf32, #tpu.memory_space<vmem>>, %arg5: memref<1x1xf32, #tpu.memory_space<vmem>>, %arg6: memref<1x1xf32, #tpu.memory_space<vmem>>, %arg7: memref<8x10112xf32, #tpu.memory_space<vmem>>) attributes {dimension_semantics = [], scalar_prefetch = 0 : i64, scratch_operands = 0 : i64, tpu.core_type = #tpu.core_type<tc>} {
    %get3A = arith.constant 0 : index
    %get3A_0 = arith.constant 0 : index
    %get3A_1 = vector.load %arg2[%get3A, %get3A_0] : memref<1x128xf32, #tpu.memory_space<vmem>>, vector<1x128xf32>
    %get3A_2 = arith.constant 0 : index
    %get3A_3 = arith.constant 0 : index
    %get3A_4 = vector.load %arg3[%get3A_2, %get3A_3] : memref<1x128xf32, #tpu.memory_space<vmem>>, vector<1x128xf32>
    %broadcast_in_dim3A = arith.constant 0.000000e+00 : f32
    %broadcast_in_dim3A_5 = vector.broadcast %broadcast_in_dim3A : f32 to vector<6x128xf32>
    %concatenate3A = tpu.concatenate %get3A_1, %get3A_4, %broadcast_in_dim3A_5 in 0 : vector<1x128xf32>, vector<1x128xf32>, vector<6x128xf32> -> vector<8x128xf32>
    %transpose3A = tpu.transpose %concatenate3A, [1, 0] : vector<8x128xf32> -> vector<128x8xf32>
    %get3A_6 = arith.constant 0 : index
    %get3A_7 = arith.constant 0 : index
    %get3A_8 = vector.load %arg1[%get3A_6, %get3A_7] : memref<128x128xf32, #tpu.memory_space<vmem>>, vector<128x128xf32>
    %dot_general3A = arith.constant dense<0.000000e+00> : vector<128x8xf32>
    %dot_general3A_9 = tpu.matmul %get3A_8, %transpose3A, %dot_general3A {dimension_numbers = #tpu.dot_dimension_numbers<[1], [0], [0], [1], [0, 0, 1, 1], [], []>, transpose_lhs_hint = false} : vector<128x128xf32>, vector<128x8xf32>, vector<128x8xf32> -> vector<128x8xf32>
    %get3A_10 = arith.constant 0 : index
    %get3A_11 = arith.constant 0 : index
    %get3A_12 = vector.load %arg5[%get3A_10, %get3A_11] : memref<1x1xf32, #tpu.memory_space<vmem>>, vector<1x1xf32>
    %get3A_13 = arith.constant 0 : index
    %get3A_14 = arith.constant 0 : index
    %get3A_15 = vector.load %arg6[%get3A_13, %get3A_14] : memref<1x1xf32, #tpu.memory_space<vmem>>, vector<1x1xf32>
    %broadcast_in_dim3A_16 = arith.constant 0.000000e+00 : f32
    %broadcast_in_dim3A_17 = vector.broadcast %broadcast_in_dim3A_16 : f32 to vector<6x1xf32>
    %concatenate3A_18 = tpu.concatenate %get3A_12, %get3A_15, %broadcast_in_dim3A_17 in 0 : vector<1x1xf32>, vector<1x1xf32>, vector<6x1xf32> -> vector<8x1xf32>
    %get3A_19 = arith.constant 0 : index
    %get3A_20 = arith.constant 0 : index
    %get3A_21 = vector.load %arg4[%get3A_19, %get3A_20] : memref<1x128xf32, #tpu.memory_space<vmem>>, vector<1x128xf32>
    %dot_general3A_22 = arith.constant dense<0.000000e+00> : vector<8x1xf32>
    %dot_general3A_23 = tpu.matmul %transpose3A, %get3A_21, %dot_general3A_22 {dimension_numbers = #tpu.dot_dimension_numbers<[0], [1], [1], [0], [0, 1, 1, 0], [], []>, transpose_lhs_hint = false} : vector<128x8xf32>, vector<1x128xf32>, vector<8x1xf32> -> vector<8x1xf32>
    %add3A = arith.addf %dot_general3A_23, %concatenate3A_18 : vector<8x1xf32>
    %get3A_24 = arith.constant 0 : index
    %get3A_25 = arith.constant 0 : index
    %get3A_26 = vector.load %arg0[%get3A_24, %get3A_25] : memref<10000x128xf32, #tpu.memory_space<vmem>>, vector<10000x128xf32>
    %dot_general3A_27 = arith.constant dense<0.000000e+00> : vector<8x10000xf32>
    %dot_general3A_28 = tpu.matmul %dot_general3A_9, %get3A_26, %dot_general3A_27 {dimension_numbers = #tpu.dot_dimension_numbers<[0], [1], [1], [0], [0, 1, 1, 0], [], []>, transpose_lhs_hint = false} : vector<128x8xf32>, vector<10000x128xf32>, vector<8x10000xf32> -> vector<8x10000xf32>
    %add3A_29 = vector.broadcast %add3A : vector<8x1xf32> to vector<8x10000xf32>
    %add3A_30 = arith.addf %dot_general3A_28, %add3A_29 : vector<8x10000xf32>
    %swap3A = arith.constant 0 : index
    %swap3A_31 = arith.constant 0 : index
    %swap3A_32 = vector.load %arg7[%swap3A, %swap3A_31] : memref<8x10112xf32, #tpu.memory_space<vmem>>, vector<8x10000xf32>
    tpu.vector_store %arg7[%swap3A, %swap3A_31], %add3A_30 {strides = array<i32>} : memref<8x10112xf32, #tpu.memory_space<vmem>>, vector<8x10000xf32>,
    return
  }
}

</mosaic_0001>

<sc_bundles>
// kernel: kernel.4.cloned.1.call-start
scs
__scs_entry_jumppad:
0x0: {  	(pc) =	sbr.rel $0x88, $3  }
0x1: {  	(tag) =	ssettag $0x0;
	lr =	simm.s32 $0x1  }
0x2: {  	[smem:$0x3F99] =	sst lr;
	_ =	strace $0xD0000000  }
0x3: {  	_ = 	snop  }
0x4: {  	_ = 	snop  }
0x5: {  	_ = 	snop  }
0x6: {  	_ = 	snop  }
0x7: {  	_ = 	snop  }
__scs_overlays_trampoline_lowered:
0x8: {  	[smem:$0x3FA8] =	sst s0  }
0x9: {  	[smem:$0x3FA9] =	sst s1  }
0xa: {  	[smem:$0x3FAA] =	sst s2  }
0xb: {  	[smem:$0x3FAB] =	sst s3  }
0xc: {  	[smem:$0x3FAC] =	sst s4  }
0xd: {  	[smem:$0x3FAD] =	sst s5  }
0xe: {  	[smem:$0x3FAE] =	sst s6  }
0xf: {  	[smem:$0x3FAF] =	sst s7  }
0x10: {  	[smem:$0x3FB0] =	sst s8  }
0x11: {  	[smem:$0x3FB1] =	sst s9;
	s0 =	simm.s32 @!p0 $0x0  }
0x12: {  	s1 =	sld [smem:$0x3F97];
	s0 =	simm.s32 @p0 $0x1  }
0x13: {  	[smem:$0x3FB2] =	sst s0;
	s0 =	simm.s32 @!p1 $0x0  }
0x14: {  	s2 =	sld [smem:$0x3F96];
	s0 =	simm.s32 @p1 $0x1  }
0x15: {  	[smem:$0x3FB3] =	sst s0;
	s0 =	simm.s32 @!p2 $0x0  }
0x16: {  	s3 =	sld [smem:$0x3FDB];
	s0 =	simm.s32 @p2 $0x1  }
0x17: {  	s4 =	simm.s32 $0x1BF5;
	[smem:$0x3FB5] =	sst s0  }
0x18: {  	s0 =	sld [smem:$0x3F98];
	_ =	swait.ge [sflag:s4], $0x0  }
0x19: {  	s7 =	sld [smem:$0x3F99]  }
0x1a: {  	s8 =	sadd.s32 $0xFFFFE003, lr  }
0x1b: {  	s9 =	sadd.s32 $0xFFFFFEF7, lr;
	s5 =	simm.s32 $0xFFFFFFFF;
	p2 =	slt.u32 s8, $0xFFFFF086  }
0x1c: {  	p1 =	slt.u32 s9, $0xF7A;
	s5 =	simm.s32 @!p2 $0x0  }
0x1d: {  	s5 =	simm.s32 @p1 $0x1;
	p0 =	seq.s32 s7, s2  }
0x1e: {  	s7 =	smul.u32 @!p0 $0xF7A, s2;
	p2 =	seq.s32 @!p0 s5, $0x0  }
0x1f: {  	s9 =	smul.u32 $0xF7A, s1;
	s8 =	simm.s32 @!p0 $0x1BF5;
	p2 =	por !p2, p0  }
0x20: {  	[sflag:s8] =	ssyncset.s32 @!p0 $0xFFFFF086;
	s6 =	sadd.s32 @!p0 s3, s7;
	s7 =	simm.s32 @!p0 $0x108  }
0x21: {  	s3 =	sadd.s32 s3, s9;
	s6 =	sadd.s32 @!p0 $0x88, s6;
	s7 =	simm.s32 @p2 $0x1082  }
0x22: {  	[simem:s7], [sflag:s8] =	dma.local @!p0 [hbm:s6], $0xF7A  }
0x23: {  	s9 =	sor.u32 $0xD0000000, s2;
	s6 =	simm.s32 $0x108;
	_ =	swait.ge @!p0 [sflag:s8], $0x0  }
0x24: {  	s3 =	sadd.s32 $0x88, s3;
	s6 =	simm.s32 @!p1 $0x1082;
	[sflag:s4] =	ssyncset.s32 $0xFFFFF086  }
0x25: {  	[simem:s6], [sflag:s4] =	dma.local [hbm:s3], $0xF7A  }
0x26: {  	[smem:$0x3F99] =	sst s1;
	(tag) =	ssettag s2;
	_ =	strace s9  }
0x27: {  	s1 =	sld [smem:$0x3FA9]  }
0x28: {  	s2 =	sld [smem:$0x3FAA]  }
0x29: {  	s4 =	sld [smem:$0x3FAC]  }
0x2a: {  	p0 =	seq.s32 s5, $0x0;
	s5 =	sld [smem:$0x3FAD]  }
0x2b: {  	s6 =	sld [smem:$0x3FAE]  }
0x2c: {  	s7 =	sld [smem:$0x3FAF]  }
0x2d: {  	s3 =	simm.s32 $0x108;
	s8 =	sld [smem:$0x3FB0]  }
0x2e: {  	s3 =	simm.s32 @!p0 $0x1082;
	s9 =	sld [smem:$0x3FB1]  }
0x2f: {  	lr =	sadd.s32 s0, s3;
	s0 =	sld [smem:$0x3FA8]  }
0x30: {  	s3 =	sld [smem:$0x3FAB]  }
0x31: {  	[smem:$0x3FB4] =	sst s10  }
0x32: {  	s10 =	sld [smem:$0x3FB2];
	_ =	sdelay $0x3  }
0x33: {  	p0 =	seq.s32 s10, $0x1;
	s10 =	sld [smem:$0x3FB4];
	_ =	sdelay $0x3  }
0x34: {  	[smem:$0x3FB4] =	sst s10  }
0x35: {  	s10 =	sld [smem:$0x3FB3];
	_ =	sdelay $0x3  }
0x36: {  	p1 =	seq.s32 s10, $0x1;
	s10 =	sld [smem:$0x3FB4];
	_ =	sdelay $0x3  }
0x37: {  	[smem:$0x3FB4] =	sst s10  }
0x38: {  	s10 =	sld [smem:$0x3FB5]  }
0x39: {  	_ = 	snop;
	(pc) =	sbr.ind lr, $3  }
0x3a: {  	_ = 	snop  }
0x3b: {  	_ = 	snop  }
0x3c: {  	p2 =	seq.s32 s10, $0x1;
	s10 =	sld [smem:$0x3FB4]  }
0x3d: {  	_ =	shalt  }
0x3e: {  	_ =	shalt  }
0x3f: {  	_ =	shalt  }
0x40: {  	_ =	shalt  }
0x41: {  	_ =	shalt  }
0x42: {  	_ =	shalt  }
0x43: {  	_ =	shalt  }
0x44: {  	_ =	shalt  }
0x45: {  	_ =	shalt  }
0x46: {  	_ =	shalt  }
0x47: {  	_ =	shalt  }
0x48: {  	_ =	shalt  }
0x49: {  	_ =	shalt  }
0x4a: {  	_ =	shalt  }
0x4b: {  	_ =	shalt  }
0x4c: {  	_ =	shalt  }
0x4d: {  	_ =	shalt  }
0x4e: {  	_ =	shalt  }
0x4f: {  	_ =	shalt  }
0x50: {  	_ =	shalt  }
0x51: {  	_ =	shalt  }
0x52: {  	_ =	shalt  }
0x53: {  	_ =	shalt  }
0x54: {  	_ =	shalt  }
0x55: {  	_ =	shalt  }
0x56: {  	_ =	shalt  }
0x57: {  	_ =	shalt  }
0x58: {  	_ =	shalt  }
0x59: {  	_ =	shalt  }
0x5a: {  	_ =	shalt  }
0x5b: {  	_ =	shalt  }
0x5c: {  	_ =	shalt  }
0x5d: {  	_ =	shalt  }
0x5e: {  	_ =	shalt  }
0x5f: {  	_ =	shalt  }
0x60: {  	_ =	shalt  }
0x61: {  	_ =	shalt  }
0x62: {  	_ =	shalt  }
0x63: {  	_ =	shalt  }
0x64: {  	_ =	shalt  }
0x65: {  	_ =	shalt  }
0x66: {  	_ =	shalt  }
0x67: {  	_ =	shalt  }
0x68: {  	_ =	shalt  }
0x69: {  	_ =	shalt  }
0x6a: {  	_ =	shalt  }
0x6b: {  	_ =	shalt  }
0x6c: {  	_ =	shalt  }
0x6d: {  	_ =	shalt  }
0x6e: {  	_ =	shalt  }
0x6f: {  	_ =	shalt  }
0x70: {  	_ =	shalt  }
0x71: {  	_ =	shalt  }
0x72: {  	_ =	shalt  }
0x73: {  	_ =	shalt  }
0x74: {  	_ =	shalt  }
0x75: {  	_ =	shalt  }
0x76: {  	_ =	shalt  }
0x77: {  	_ =	shalt  }
0x78: {  	_ =	shalt  }
0x79: {  	_ =	shalt  }
0x7a: {  	_ =	shalt  }
0x7b: {  	_ =	shalt  }
0x7c: {  	_ =	shalt  }
0x7d: {  	_ =	shalt  }
0x7e: {  	_ =	shalt  }
0x7f: {  	_ =	shalt  }
0x80: {  	_ =	shalt  }
0x81: {  	_ =	shalt  }
0x82: {  	_ =	shalt  }
0x83: {  	_ =	shalt  }
0x84: {  	_ =	shalt  }
0x85: {  	_ =	shalt  }
0x86: {  	_ =	shalt  }
0x87: {  	_ =	shalt  }
.Lfunc_end0:
.L_simem_size_0:
called_computation_lowered:
.L_overlay_start_0:
0x88: {  	s0 =	sld [smem:$0x3FD9]  }
0x89: {  	s1 =	sld [smem:$0x3FFE];
	_ =	sdelay $0x3  }
0x8a: {  	s0 =	sadd.s32 s1, s0  }
0x8b: {  	[smem:$0x3FC0] =	sst s0  }
0x8c: {  	_ = 	snop  }
0x8d: {  	s0 =	sld [smem:$0x3FC8]  }
0x8e: {  	s16 =	sld [smem:$0x3FD0];
	(tm) =	ssettm $0x1  }
0x8f: {  	s2 =	sld [smem:$0x3FFB];
	_ =	sdelay $0x3  }
0x90: {  	_ =	strace s2  }
0x91: {  	s2 =	sld [smem:$0x3FFC];
	_ =	sdelay $0x3  }
0x92: {  	_ =	strace s2  }
0x93: {  	s2 =	sld [smem:$0x3FFD];
	_ =	sdelay $0x3  }
0x94: {  	_ =	strace s2  }
0x95: {  	_ =	strace $0x8FFFFFFF  }
0x96: {  	s17 =	sld [smem:$0x3FDB];
	_ =	sdelay $0x1  }
0x97: {  	s3 =	simm.s32 $_scs_section_size  }
0x98: {  	s4 =	simm.s32 $_size__tile_overlayer_lowered;
	s5 =	simm.s32 $_tile_overlayer_lowered  }
0x99: {  	s20 =	simm.s32 $0x1BFF;
	s19 =	sshll.u32 s5, $0x1;
	s2 =	sadd.s32 s3, s17  }
0x9a: {  	s6 =	simm.s32 $0x0;
	s18 =	sshll.u32 s4, $0x1;
	s4 =	sadd.s32 s19, s2  }
0x9b: {  	[timem:s6], [sflag:s20] =	dma.local [hbm:s4], s18  }
0x9c: {  	_ =	swait.ge [sflag:s20], s18  }
0x9d: {  	s3 =	ssub.s32 $0x0, s18;
	[sflag:s20] =	ssyncset.done $0x0  }
0x9e: {  	[sflag:s20] =	ssyncadd.s32 s3;
	_ =	sdelay $0x1  }
0x9f: {  	s21 =	simm.s32 $0x1B8B  }
0xa0: {  	_ =	swait.ge [sflag:s21], $0x1  }
0xa1: {  	[sflag:s21] =	ssyncset.done $0x0  }
0xa2: {  	s23 =	simm.s32 $0x1B8E;
	s22 =	sld [smem:$0x3FFE];
	[sflag:s21] =	ssyncadd.s32 $0xFFFFFFFF  }
0xa3: {  	s24 =	simm.s32 $execute0_lowered;
	[smem:$0x3FD2] =	sst s23  }
0xa4: {  	s4 =	sshll.u32 s24, $0x1;
	_ =	strace $0x80000046;
	[dreg:$0x1] =	wrdreg $0xFFFFFFFF  }
0xa5: {  	s25 =	simm.s32 $_size_execute0_lowered;
	s2 =	sadd.s32 s2, s4;
	[dreg:$0x0] =	wrdreg $0x0  }
0xa6: {  	s4 =	sshll.u32 s25, $0x1;
	[dreg:$0x2] =	wrdreg s2  }
0xa7: {  	[dreg:$0x3] =	wrdreg s4  }
0xa8: {  	[dreg:$0x4] =	wrdreg $0xC0  }
0xa9: {  	_ =	task [dreg:s6], $0x5FFFF  }
0xaa: {  	[dreg:$0x1] =	wrdreg $0xFFFFFFFF  }
0xab: {  	[dreg:$0x0] =	wrdreg $0x60  }
0xac: {  	[dreg:$0x2] =	wrdreg s16  }
0xad: {  	[dreg:$0x3] =	wrdreg s0  }
0xae: {  	[dreg:$0x4] =	wrdreg s22  }
0xaf: {  	[dreg:$0x5] =	wrdreg $0x9  }
0xb0: {  	_ =	task.clear_ibuf [dreg:s6], $0x6FFFF;
	_ =	strace $0x90000046  }
0xb1: {  	s26 =	simm.s32 $0x9;
	_ =	strace $0x80000048  }
0xb2: {  	_ =	swait.ge [sflag:s26], $0x1  }
0xb3: {  	[sflag:s26] =	ssyncadd.s32 $0xFFFFFFFF  }
0xb4: {  	_ =	strace $0x90000048  }
0xb5: {  	_ =	sfence  }
0xb6: {  	s28 =	sld [smem:$0x0];
	_ =	sdelay $0x1  }
0xb7: {  	s29 =	srdreg.scid  }
0xb8: {  	s30 =	sshll.u32 s29, $0xD;
	s31 =	sshrl.u32 s29, $0x2  }
0xb9: {  	s1 =	sand.u32 $0x1, s29;
	s2 =	sand.u32 $0x4000, s30;
	s0 =	sadd.s32 s31, s28  }
0xba: {  	s1 =	sor.u32 s2, s1;
	s0 =	sshll.u32 s0, $0x11  }
0xbb: {  	s0 =	sor.u32 s0, s1  }
0xbc: {  	s0 =	sadd.s32 $0x8F2B, s0  }
0xbd: {  	[sflag:s0] =	ssyncadd.remote.s32 $0x1  }
0xbe: {  	_ =	sfence.sel $0xFFFF  }
0xbf: {  	[dreg:$0x0] =	wrdreg $0xFFFFFFFF;
	(pc) =	sbr.abs _section_cstart, $3  }
0xc0: {  	[dreg:$0x1] =	wrdreg $0xFFFFFFFF  }
0xc1: {  	_ =	task.clear_ibuf [dreg:s6], $0x2FFFF;
	_ =	strace $0x9FFFFFFF  }
0xc2: {  	(tm) =	ssettm $0x7FFFFFFF  }
0xc3: {  	_ =	shalt  }
tec
execute0_lowered:
.L_overlay_start_1:
0x0: {  	(tag) =	ssettag $0x1  }
0x1: {  	s5 =	rddreg [dreg:$0x0]  }
0x2: {  	s6 =	rddreg [dreg:$0x1]  }
0x3: {  	s2 =	rddreg [dreg:$0x2];
	s1 =	stileid.u32  }
0x4: {  	s0 =	rddreg [dreg:$0x3];
	s4 =	simm.s32 $0x0;
	s3 =	smul.u32 $0x9E, s1  }
0x5: {  	s8 =	simm.s32 $0x100;
	[smem:$0x7FF] =	sst s4  }
0x6: {  	s9 =	simm.s32 $0x400;
	_ =	strace $0x80000047;
	s3 =	smin.u32 s3, $0x926  }
0x7: {  	[tilespmem:s4], [sflag:$0x1] =	stream.strided.gather [hbm4b:s5+s8], $0x4F00, s9, s8, $0x38;
	[tilespmem:$0x13C00] =	vst v63  }
0x8: {  	s7 =	sshll.u32 s3, $0x5  }
0x9: {  	s26 =	simm.s32 $0x4F00;
	s25 =	sadd.s32 s6, s7  }
0xa: {  	[tilespmem:s26], [sflag:$0x1] =	stream.linear.gather [hbm4b:s25+s4], $0x4F00, $0x38;
	[tilespmem:$0x13C00] =	vst v63  }
0xb: {  	s28 =	simm.s32 $0x9E00;
	s29 =	simm.s32 $0x1;
	s5 =	sadd.s32 $0x9E0, s25  }
0xc: {  	[tilespmem:s28], [sflag:$0x2] =	stream.linear.gather [hbm4b:s5+s4], $0x4F00, $0x38;
	[tilespmem:$0x13C00] =	vst v63  }
0xd: {  	_ =	swait.ge [sflag:s29], $0x4F00  }
0xe: {  	[sflag:s29] =	ssyncset.done $0x0  }
0xf: {  	[sflag:s29] =	ssyncadd.s32 $0xFFFFB100  }
0x10: {  	_ =	swait.ge [sflag:s29], $0x4F00  }
0x11: {  	[sflag:s29] =	ssyncset.done $0x0  }
0x12: {  	s30 =	simm.s32 $0x4F80;
	[sflag:s29] =	ssyncadd.s32 $0xFFFFB100  }
0x13: {  	v0 =	vld [tilespmem:s30+$0xFFFFFFF0]  }
0x14: {  	v1 =	vld [tilespmem:s30+$0x70]  }
0x15: {  	v2 =	vld [tilespmem:s30+$0x0]  }
0x16: {  	v4 =	vld [tilespmem:s30+$0x20]  }
0x17: {  	v5 =	vld [tilespmem:s30+$0x30]  }
0x18: {  	v6 =	vld [tilespmem:s30+$0x40]  }
0x19: {  	v9 =	vld [tilespmem:s30+$0x50]  }
0x1a: {  	v11 =	vld [tilespmem:s30+$0x60]  }
0x1b: {  	v13 =	vld [tilespmem:s30+$0xFFFFFFA0]  }
0x1c: {  	s31 =	simm.s32 $0x5080;
	v15 =	vld [tilespmem:s30+$0xFFFFFFB0]  }
0x1d: {  	v50 =	vld [tilespmem:s31+$0x10]  }
0x1e: {  	v28 =	vld [tilespmem:s31+$0xFFFFFFA0];
	v7 =	vshll.u32 v0, $0x1;
	v0 =	vand.u32 $0x7F, v0;
	v8 =	vshll.u32 v1, $0x1  }
0x1f: {  	v30 =	vld [tilespmem:s31+$0xFFFFFFB0];
	v1 =	vand.u32 $0x7F, v1;
	v10 =	vshll.u32 v2, $0x1;
	v12 =	vshll.u32 v4, $0x1  }
0x20: {  	v37 =	vld [tilespmem:s31+$0xFFFFFFD0];
	v14 =	vshll.u32 v5, $0x1;
	v16 =	vshll.u32 v6, $0x1;
	v2 =	vand.u32 $0x7F, v2  }
0x21: {  	v18 =	vshll.u32 v9, $0x1;
	v19 =	vshll.u32 v11, $0x1;
	v4 =	vand.u32 $0x7F, v4  }
0x22: {  	v21 =	vshll.u32 v13, $0x1;
	v5 =	vand.u32 $0x7F, v5;
	v6 =	vand.u32 $0x7F, v6  }
0x23: {  	v23 =	vshll.u32 v15, $0x1;
	v9 =	vand.u32 $0x7F, v9;
	v11 =	vand.u32 $0x7F, v11  }
0x24: {  	v15 =	vand.u32 $0x7F, v15;
	v26 =	vshll.u32 v50, $0x1;
	v36 =	vshll.u32 v28, $0x1  }
0x25: {  	v3 =	vld [tilespmem:s30+$0x10];
	v38 =	vshll.u32 v30, $0x1;
	v55 =	vshll.u32 v37, $0x1;
	v62 =	vand.u32 $0x7F, v30  }
0x26: {  	v37 =	vand.u32 $0x7F, v37;
	v7 =	vand.u32 $0xFFFFFF00, v7;
	v8 =	vand.u32 $0xFFFFFF00, v8  }
0x27: {  	v22 =	vld [tilespmem:s30+$0xFFFFFFD0];
	v10 =	vand.u32 $0xFFFFFF00, v10;
	v12 =	vand.u32 $0xFFFFFF00, v12;
	v14 =	vand.u32 $0xFFFFFF00, v14  }
0x28: {  	v24 =	vld [tilespmem:s30+$0xFFFFFFE0];
	v16 =	vand.u32 $0xFFFFFF00, v16;
	v18 =	vand.u32 $0xFFFFFF00, v18;
	v19 =	vand.u32 $0xFFFFFF00, v19  }
0x29: {  	v25 =	vld [tilespmem:s30+$0xFFFFFF80];
	v26 =	vand.u32 $0xFFFFFF00, v26;
	v0 =	vor.u32 v0, v7;
	v1 =	vor.u32 v8, v1  }
0x2a: {  	v49 =	vld [tilespmem:s31+$0x0];
	v8 =	vshll.u32 v3, $0x1;
	v3 =	vand.u32 $0x7F, v3;
	v2 =	vor.u32 v10, v2  }
0x2b: {  	v4 =	vor.u32 v12, v4;
	v5 =	vor.u32 v14, v5;
	v6 =	vor.u32 v16, v6  }
0x2c: {  	v17 =	vld [tilespmem:s30+$0xFFFFFFC0];
	v9 =	vor.u32 v18, v9;
	v11 =	vor.u32 v19, v11;
	v1 =	vor.u32 $0x80, v1  }
0x2d: {  	v32 =	vld [tilespmem:s31+$0xFFFFFFC0];
	v12 =	vand.u32 $0xFFFFFF00, v21;
	v14 =	vshll.u32 v22, $0x1;
	v16 =	vand.u32 $0xFFFFFF00, v23  }
0x2e: {  	v39 =	vld [tilespmem:s31+$0xFFFFFFE0];
	v18 =	vshll.u32 v24, $0x1;
	v21 =	vand.u32 $0x7F, v25;
	v23 =	vand.u32 $0x7F, v24  }
0x2f: {  	v7 =	vld [tilespmem:s30+$0xFFFFFF90];
	v24 =	vand.u32 $0x7F, v49;
	v8 =	vand.u32 $0xFFFFFF00, v8;
	v4 =	vor.u32 $0x80, v4  }
0x30: {  	v2 =	vor.u32 $0x80, v2;
	v14 =	vand.u32 $0xFFFFFF00, v14;
	v5 =	vor.u32 $0x80, v5;
	v0 =	vld.idx.msk [tilespmem:v0+s4+$0x0], $0xffff  }
0x31: {  	v18 =	vand.u32 $0xFFFFFF00, v18;
	v6 =	vor.u32 $0x80, v6;
	v11 =	vor.u32 $0x80, v11;
	v1 =	vld.idx.msk [tilespmem:v1+s4+$0x0], $0xffff  }
0x32: {  	v3 =	vor.u32 v8, v3;
	v8 =	vshll.u32 v17, $0x1;
	v18 =	vor.u32 v23, v18;
	v23 =	vld [tilespmem:s31+$0x60]  }
0x33: {  	v51 =	vld [tilespmem:s31+$0xFFFFFF80];
	v9 =	vor.u32 $0x80, v9;
	v17 =	vand.u32 $0x7F, v17;
	v8 =	vand.u32 $0xFFFFFF00, v8  }
0x34: {  	v3 =	vor.u32 $0x80, v3;
	v8 =	vor.u32 v17, v8;
	v20 =	vshll.u32 v7, $0x1;
	v52 =	vld.idx.msk [tilespmem:v4+s4+$0x0], $0xffff  }
0x35: {  	v7 =	vand.u32 $0x7F, v7;
	v10 =	vand.u32 $0xFFFFFF00, v20;
	v4 =	vshll.u32 v32, $0x1;
	v53 =	vld.idx.msk [tilespmem:v5+s4+$0x0], $0xffff  }
0x36: {  	v57 =	vld.idx.msk [tilespmem:v11+s4+$0x0], $0xffff;
	v11 =	vshll.u32 v39, $0x1;
	v32 =	vand.u32 $0x7F, v32;
	v0 =	vadd.f32 v1, v0  }
0x37: {  	v54 =	vld.idx.msk [tilespmem:v6+s4+$0x0], $0xffff;
	v39 =	vand.u32 $0x7F, v39;
	v7 =	vor.u32 v7, v10;
	v34 =	vshll.u32 v23, $0x1  }
0x38: {  	v10 =	vld [tilespmem:s31+$0x20];
	v23 =	vand.u32 $0x7F, v23;
	v1 =	vshll.u32 v25, $0x1;
	v19 =	vmul.f32 $2.000000030e-01, v0  }
0x39: {  	v4 =	vand.u32 $0xFFFFFF00, v4;
	v20 =	vand.u32 $0xFFFFFF00, v1;
	v1 =	vld.idx.msk [tilespmem:v2+s4+$0x0], $0xffff;
	vm0 =	vgt.f32 v0, $0.0e+00  }
0x3a: {  	v60 =	vand.u32 $0xFFFFFF00, v11;
	v2 =	vsel vm0, v0, v19;
	v0 =	vand.u32 $0x7F, v13;
	v13 =	vld [tilespmem:s31+$0xFFFFFFF0]  }
0x3b: {  	v11 =	vand.u32 $0x7F, v51;
	v34 =	vand.u32 $0xFFFFFF00, v34;
	v19 =	vand.u32 $0x7F, v22;
	v22 =	vld [tilespmem:s31+$0x70]  }
0x3c: {  	v45 =	vld.idx.msk [tilespmem:v18+s4+$0x0], $0xffff;
	v6 =	vor.u32 v34, v23;
	v23 =	vand.u32 $0xFFFFFF00, v36;
	v25 =	vand.u32 $0x7F, v50  }
0x3d: {  	v41 =	vld.idx.msk [tilespmem:v8+s4+$0x0], $0xffff;
	v27 =	vshll.u32 v10, $0x1;
	v10 =	vand.u32 $0x7F, v10;
	v25 =	vor.u32 v26, v25  }
0x3e: {  	v40 =	vld.idx.msk [tilespmem:v7+s4+$0x0], $0xffff;
	v7 =	vor.u32 $0x80, v6;
	v6 =	vor.u32 v32, v4;
	v0 =	vor.u32 v0, v12  }
0x3f: {  	v20 =	vor.u32 v21, v20;
	v21 =	vld [tilespmem:s31+$0x50];
	v12 =	vor.u32 v15, v16;
	v14 =	vor.u32 v19, v14  }
0x40: {  	v15 =	vld [tilespmem:s31+$0x30];
	v17 =	vshll.u32 v13, $0x1;
	v13 =	vand.u32 $0x7F, v13;
	v19 =	vshll.u32 v22, $0x1  }
0x41: {  	v16 =	vld [tilespmem:s31+$0x40];
	v22 =	vand.u32 $0x7F, v22;
	v17 =	vand.u32 $0xFFFFFF00, v17;
	v19 =	vand.u32 $0xFFFFFF00, v19  }
0x42: {  	v3 =	vld.idx.msk [tilespmem:v3+s4+$0x0], $0xffff;
	v4 =	vor.u32 v39, v60;
	v13 =	vor.u32 v13, v17;
	v17 =	vor.u32 v19, v22  }
0x43: {  	v27 =	vand.u32 $0xFFFFFF00, v27;
	v25 =	vor.u32 $0x80, v25;
	v61 =	vld.idx.msk [tilespmem:v0+s4+$0x0], $0xffff;
	v17 =	vor.u32 $0x80, v17  }
0x44: {  	v10 =	vor.u32 v27, v10;
	v18 =	vadd.f32 v54, v41;
	v33 =	vshll.u32 v21, $0x1;
	v63 =	vld.idx.msk [tilespmem:v12+s4+$0x0], $0xffff  }
0x45: {  	v42 =	vor.u32 $0x80, v10;
	v21 =	vand.u32 $0x7F, v21;
	v33 =	vand.u32 $0xFFFFFF00, v33;
	v43 =	vld.idx.msk [tilespmem:v14+s4+$0x0], $0xffff  }
0x46: {  	v21 =	vor.u32 v33, v21;
	v29 =	vshll.u32 v15, $0x1;
	v31 =	vshll.u32 v16, $0x1;
	v22 =	vld [tilespmem:s31+$0xFFFFFF90]  }
0x47: {  	v15 =	vand.u32 $0x7F, v15;
	v16 =	vand.u32 $0x7F, v16;
	v0 =	vand.u32 $0x7F, v28;
	v13 =	vld.idx.msk [tilespmem:v13+s4+$0x0], $0xffff  }
0x48: {  	v12 =	vor.u32 $0x80, v21;
	v14 =	vadd.f32 v3, v40;
	v19 =	vshll.u32 v49, $0x1;
	v17 =	vld.idx.msk [tilespmem:v17+s4+$0x0], $0xffff  }
0x49: {  	v56 =	vld.idx.msk [tilespmem:v9+s4+$0x0], $0xffff;
	v29 =	vand.u32 $0xFFFFFF00, v29;
	v31 =	vand.u32 $0xFFFFFF00, v31;
	v19 =	vand.u32 $0xFFFFFF00, v19  }
0x4a: {  	v15 =	vor.u32 v29, v15;
	v5 =	vor.u32 v31, v16;
	v31 =	vand.u32 $0xFFFFFF00, v55  }
0x4b: {  	v19 =	vor.u32 v19, v24;
	v44 =	vor.u32 $0x80, v15;
	v35 =	vshll.u32 v22, $0x1  }
0x4c: {  	v20 =	vld.idx.msk [tilespmem:v20+s4+$0x0], $0xffff;
	v19 =	vor.u32 $0x80, v19;
	v22 =	vand.u32 $0x7F, v22;
	v16 =	vand.u32 $0xFFFFFF00, v35  }
0x4d: {  	v15 =	vadd.f32 v53, v63;
	v10 =	vor.u32 v22, v16;
	v9 =	vadd.f32 v17, v13  }
0x4e: {  	v16 =	vadd.f32 v56, v43;
	v22 =	vmul.f32 $2.000000030e-01, v14;
	v13 =	vshll.u32 v51, $0x1  }
0x4f: {  	s6 =	simm.s32 $0xED40;
	v17 =	vand.u32 $0xFFFFFF00, v38;
	v59 =	vand.u32 $0xFFFFFF00, v13;
	v58 =	vmul.f32 $2.000000030e-01, v9  }
0x50: {  	[tilespmem:s6+$0x30] =	vst v2;
	v2 =	vld.idx.msk [tilespmem:v42+s4+$0x0], $0xffff;
	v8 =	vor.u32 v62, v17;
	v17 =	vadd.f32 v52, v61;
	vm15 =	vgt.f32 v9, $0.0e+00  }
0x51: {  	v35 =	vsel vm15, v9, v58;
	v9 =	vor.u32 v0, v23;
	v0 =	vld.idx.msk [tilespmem:v19+s4+$0x0], $0xffff;
	v19 =	vadd.f32 v1, v20  }
0x52: {  	s5 =	simm.s32 $0xEDC0;
	v3 =	vld.idx.msk [tilespmem:v44+s4+$0x0], $0xffff;
	v13 =	vor.u32 $0x80, v5;
	v5 =	vor.u32 v37, v31;
	v11 =	vor.u32 v11, v59  }
0x53: {  	s2 =	sadd.s32 $0x1000, s2;
	s8 =	simm.s32 $0x5180;
	s7 =	simm.s32 $0x80;
	v1 =	vld.idx.msk [tilespmem:v25+s4+$0x0], $0xffff;
	v23 =	vmul.f32 $2.000000030e-01, v17;
	v20 =	vadd.f32 v57, v45;
	[tilespmem:s5+$0x30] =	vst v35;
	v21 =	vmul.f32 $2.000000030e-01, v19  }
.LBB2_1:
0x54: {  	v24 =	vld [tilespmem:s8+$0xFFFFFFF0];
	vm0 =	vgt.f32 v19, $0.0e+00;
	v25 =	vmul.f32 $2.000000030e-01, v15;
	v26 =	vmul.f32 $2.000000030e-01, v18  }
0x55: {  	s7 =	sadd.s32 $0x80, s7;
	vm1 =	vgt.f32 v14, $0.0e+00;
	v28 =	vmul.f32 $2.000000030e-01, v16;
	v27 =	vld [tilespmem:s8+$0x70];
	v29 =	vmul.f32 $2.000000030e-01, v20  }
0x56: {  	vm2 =	vgt.f32 v17, $0.0e+00;
	vm3 =	vgt.f32 v15, $0.0e+00;
	vm4 =	vgt.f32 v18, $0.0e+00;
	p0 =	slt.u32 s7, $0x2700;
	v30 =	vld [tilespmem:s8+$0x0]  }
0x57: {  	v19 =	vsel vm0, v19, v21;
	vm0 =	vgt.f32 v16, $0.0e+00;
	vm5 =	vgt.f32 v20, $0.0e+00;
	v31 =	vld [tilespmem:s8+$0x10]  }
0x58: {  	v14 =	vsel vm1, v14, v22;
	v17 =	vsel vm2, v17, v23;
	v15 =	vsel vm3, v15, v25;
	v21 =	vld [tilespmem:s8+$0x20];
	[tilespmem:s6+$0xFFFFFFC0] =	vst v19  }
0x59: {  	v16 =	vsel vm0, v16, v28;
	v19 =	vld [tilespmem:s8+$0x30];
	[tilespmem:s6+$0xFFFFFFD0] =	vst v14;
	v14 =	vsel vm4, v18, v26;
	v18 =	vsel vm5, v20, v29  }
0x5a: {  	v22 =	vshll.u32 v24, $0x1;
	v23 =	vand.u32 $0x7F, v24;
	v20 =	vld [tilespmem:s8+$0x40];
	v24 =	vshll.u32 v27, $0x1;
	[tilespmem:s6+$0xFFFFFFE0] =	vst v17  }
0x5b: {  	v22 =	vand.u32 $0xFFFFFF00, v22;
	v25 =	vand.u32 $0x7F, v27;
	v17 =	vld [tilespmem:s8+$0x50];
	v24 =	vand.u32 $0xFFFFFF00, v24;
	[tilespmem:s6+$0xFFFFFFF0] =	vst v15  }
0x5c: {  	v15 =	vshll.u32 v30, $0x1;
	v22 =	vor.u32 v23, v22;
	v26 =	vld [tilespmem:s8+$0x60];
	v23 =	vor.u32 v24, v25;
	[tilespmem:s6+$0x0] =	vst v14  }
0x5d: {  	v24 =	vshll.u32 v31, $0x1;
	v14 =	vld [tilespmem:s8+$0xFFFFFF90];
	v25 =	vshll.u32 v21, $0x1;
	v23 =	vor.u32 $0x80, v23;
	[tilespmem:s6+$0x10] =	vst v16  }
0x5e: {  	v15 =	vand.u32 $0xFFFFFF00, v15;
	v16 =	vand.u32 $0xFFFFFF00, v24;
	v24 =	vld [tilespmem:s8+$0xFFFFFFA0];
	v27 =	vshll.u32 v19, $0x1;
	[tilespmem:s6+$0x20] =	vst v18;
	s6 =	smov.u32 s5  }
0x5f: {  	v18 =	vand.u32 $0xFFFFFF00, v25;
	v25 =	vld [tilespmem:s8+$0xFFFFFFB0];
	v27 =	vand.u32 $0xFFFFFF00, v27;
	v28 =	vshll.u32 v20, $0x1  }
0x60: {  	v29 =	vand.u32 $0x7F, v30;
	v30 =	vld [tilespmem:s8+$0xFFFFFFC0];
	v28 =	vand.u32 $0xFFFFFF00, v28;
	v32 =	vshll.u32 v17, $0x1  }
0x61: {  	v31 =	vand.u32 $0x7F, v31;
	v32 =	vand.u32 $0xFFFFFF00, v32;
	v33 =	vshll.u32 v26, $0x1;
	v22 =	vld.idx.msk [tilespmem:v22+s4+$0x0], $0xffff  }
0x62: {  	v21 =	vand.u32 $0x7F, v21;
	v34 =	vshll.u32 v14, $0x1;
	v33 =	vand.u32 $0xFFFFFF00, v33;
	v23 =	vld.idx.msk [tilespmem:v23+s4+$0x0], $0xffff  }
0x63: {  	v19 =	vand.u32 $0x7F, v19;
	v20 =	vand.u32 $0x7F, v20;
	v35 =	vshll.u32 v24, $0x1;
	v36 =	vld [tilespmem:s8+$0xFFFFFFD0]  }
0x64: {  	v17 =	vand.u32 $0x7F, v17;
	v26 =	vand.u32 $0x7F, v26;
	v37 =	vshll.u32 v25, $0x1;
	v38 =	vld [tilespmem:s8+$0xFFFFFFE0]  }
0x65: {  	v15 =	vor.u32 v15, v29;
	v16 =	vor.u32 v16, v31;
	v39 =	vld [tilespmem:s8+$0xFFFFFF80];
	v29 =	vshll.u32 v30, $0x1  }
0x66: {  	v18 =	vor.u32 v18, v21;
	v19 =	vor.u32 v27, v19;
	v20 =	vor.u32 v28, v20;
	v27 =	vld.idx.msk [tilespmem:v13+s4+$0x0], $0xffff  }
0x67: {  	v17 =	vor.u32 v32, v17;
	v21 =	vand.u32 $0xFFFFFF00, v34;
	v26 =	vor.u32 v33, v26;
	v28 =	vld.idx.msk [tilespmem:v12+s4+$0x0], $0xffff  }
0x68: {  	v31 =	vand.u32 $0xFFFFFF00, v35;
	v13 =	vadd.f32 v23, v22;
	v12 =	vshll.u32 v36, $0x1;
	v32 =	vld.idx.msk [tilespmem:v7+s4+$0x0], $0xffff  }
0x69: {  	v22 =	vand.u32 $0xFFFFFF00, v37;
	v23 =	vand.u32 $0xFFFFFF00, v29;
	v7 =	vshll.u32 v38, $0x1;
	v29 =	vld.idx.msk [tilespmem:v11+s4+$0x0], $0xffff  }
0x6a: {  	v33 =	vand.u32 $0xFFFFFF00, v12;
	v12 =	vmul.f32 $2.000000030e-01, v13;
	v11 =	vshll.u32 v39, $0x1;
	v34 =	vld.idx.msk [tilespmem:v10+s4+$0x0], $0xffff  }
0x6b: {  	vm0 =	vgt.f32 v13, $0.0e+00;
	v35 =	vand.u32 $0xFFFFFF00, v7;
	v10 =	vand.u32 $0xFFFFFF00, v11;
	v37 =	vld.idx.msk [tilespmem:v9+s4+$0x0], $0xffff  }
0x6c: {  	s5 =	sadd.s32 $0x80, s5;
	v14 =	vand.u32 $0x7F, v14;
	v9 =	vand.u32 $0x7F, v39;
	v7 =	vsel vm0, v13, v12;
	v39 =	vld.idx.msk [tilespmem:v8+s4+$0x0], $0xffff  }
0x6d: {  	v8 =	vand.u32 $0x7F, v24;
	v24 =	vand.u32 $0x7F, v25;
	v25 =	vand.u32 $0x7F, v30;
	[tilespmem:s5+$0x30] =	vst v7;
	v30 =	vld.idx.msk [tilespmem:v6+s4+$0x0], $0xffff  }
0x6e: {  	v15 =	vor.u32 $0x80, v15;
	v36 =	vand.u32 $0x7F, v36;
	v38 =	vand.u32 $0x7F, v38;
	v40 =	vld.idx.msk [tilespmem:v5+s4+$0x0], $0xffff  }
0x6f: {  	v16 =	vor.u32 $0x80, v16;
	v18 =	vor.u32 $0x80, v18;
	v41 =	vor.u32 $0x80, v19;
	v42 =	vld.idx.msk [tilespmem:v4+s4+$0x0], $0xffff  }
0x70: {  	v13 =	vor.u32 $0x80, v20;
	v12 =	vor.u32 $0x80, v17;
	v7 =	vor.u32 $0x80, v26  }
0x71: {  	v11 =	vor.u32 v9, v10;
	v10 =	vor.u32 v14, v21;
	v9 =	vor.u32 v8, v31  }
.Ltmp0:
0x72: {  	v8 =	vor.u32 v24, v22;
	v6 =	vor.u32 v25, v23;
	v5 =	vor.u32 v36, v33;
	(pc) =	sbr.rel @p0 .LBB2_1-.Ltmp0, $4  }
0x73: {  	v19 =	vadd.f32 v0, v29;
	v4 =	vor.u32 v38, v35;
	v14 =	vadd.f32 v1, v34;
	v0 =	vld.idx.msk [tilespmem:v15+s4+$0x0], $0xffff  }
0x74: {  	v17 =	vadd.f32 v2, v37;
	v15 =	vadd.f32 v3, v39;
	v1 =	vld.idx.msk [tilespmem:v16+s4+$0x0], $0xffff  }
0x75: {  	v21 =	vmul.f32 $2.000000030e-01, v19;
	v16 =	vadd.f32 v28, v40;
	v2 =	vld.idx.msk [tilespmem:v18+s4+$0x0], $0xffff;
	v18 =	vadd.f32 v27, v30  }
0x76: {  	s8 =	sadd.s32 $0x100, s8;
	v22 =	vmul.f32 $2.000000030e-01, v14;
	v23 =	vmul.f32 $2.000000030e-01, v17;
	v20 =	vadd.f32 v32, v42;
	v3 =	vld.idx.msk [tilespmem:v41+s4+$0x0], $0xffff  }
0x77: {  	_ =	sdelay $0x3  }
0x78: {  	v13 =	vld.idx.msk [tilespmem:v13+s4+$0x0], $0xffff  }
0x79: {  	v12 =	vld.idx.msk [tilespmem:v12+s4+$0x0], $0xffff  }
0x7a: {  	v11 =	vld.idx.msk [tilespmem:v11+s4+$0x0], $0xffff  }
0x7b: {  	v10 =	vld.idx.msk [tilespmem:v10+s4+$0x0], $0xffff  }
0x7c: {  	v9 =	vld.idx.msk [tilespmem:v9+s4+$0x0], $0xffff  }
0x7d: {  	vm0 =	vgt.f32 v19, $0.0e+00;
	v8 =	vld.idx.msk [tilespmem:v8+s4+$0x0], $0xffff  }
0x7e: {  	v24 =	vmul.f32 $2.000000030e-01, v15;
	v25 =	vmul.f32 $2.000000030e-01, v18;
	vm1 =	vgt.f32 v14, $0.0e+00;
	v6 =	vld.idx.msk [tilespmem:v6+s4+$0x0], $0xffff  }
0x7f: {  	v26 =	vmul.f32 $2.000000030e-01, v16;
	vm2 =	vgt.f32 v17, $0.0e+00;
	vm3 =	vgt.f32 v15, $0.0e+00;
	v5 =	vld.idx.msk [tilespmem:v5+s4+$0x0], $0xffff  }
0x80: {  	vm4 =	vgt.f32 v18, $0.0e+00;
	vm5 =	vgt.f32 v16, $0.0e+00;
	v7 =	vld.idx.msk [tilespmem:v7+s4+$0x0], $0xffff;
	v19 =	vsel vm0, v19, v21  }
0x81: {  	v4 =	vld.idx.msk [tilespmem:v4+s4+$0x0], $0xffff;
	v27 =	vmul.f32 $2.000000030e-01, v20;
	v14 =	vsel vm1, v14, v22;
	v17 =	vsel vm2, v17, v23;
	[tilespmem:s6+$0xFFFFFFC0] =	vst v19  }
0x82: {  	vm6 =	vgt.f32 v20, $0.0e+00;
	v15 =	vsel vm3, v15, v24;
	[tilespmem:s6+$0xFFFFFFD0] =	vst v14;
	v14 =	vsel vm4, v18, v25  }
0x83: {  	v16 =	vsel vm5, v16, v26;
	[tilespmem:s6+$0xFFFFFFE0] =	vst v17;
	v0 =	vadd.f32 v0, v11;
	v1 =	vadd.f32 v1, v10  }
0x84: {  	[tilespmem:s6+$0xFFFFFFF0] =	vst v15;
	v10 =	vsel vm6, v20, v27;
	v2 =	vadd.f32 v2, v9;
	v3 =	vadd.f32 v3, v8  }
0x85: {  	[tilespmem:s6+$0x0] =	vst v14;
	v6 =	vadd.f32 v13, v6;
	v5 =	vadd.f32 v12, v5;
	v8 =	vmul.f32 $2.000000030e-01, v0  }
0x86: {  	[tilespmem:s6+$0x10] =	vst v16;
	v4 =	vadd.f32 v7, v4;
	v11 =	vmul.f32 $2.000000030e-01, v2;
	vm7 =	vgt.f32 v0, $0.0e+00  }
0x87: {  	[tilespmem:s6+$0x20] =	vst v10;
	v9 =	vmul.f32 $2.000000030e-01, v1;
	vm9 =	vgt.f32 v2, $0.0e+00;
	v0 =	vsel vm7, v0, v8  }
0x88: {  	vm8 =	vgt.f32 v1, $0.0e+00;
	v7 =	vmul.f32 $2.000000030e-01, v3;
	v2 =	vsel vm9, v2, v11;
	[tilespmem:s5+$0xFFFFFFC0] =	vst v0  }
0x89: {  	vm10 =	vgt.f32 v3, $0.0e+00;
	v0 =	vsel vm8, v1, v9;
	v1 =	vmul.f32 $2.000000030e-01, v6;
	[tilespmem:s5+$0xFFFFFFE0] =	vst v2  }
0x8a: {  	vm11 =	vgt.f32 v6, $0.0e+00;
	v3 =	vsel vm10, v3, v7;
	[tilespmem:s5+$0xFFFFFFD0] =	vst v0;
	v0 =	vmul.f32 $2.000000030e-01, v5  }
0x8b: {  	vm12 =	vgt.f32 v5, $0.0e+00;
	v2 =	vmul.f32 $2.000000030e-01, v4;
	[tilespmem:s5+$0xFFFFFFF0] =	vst v3;
	v1 =	vsel vm11, v6, v1  }
0x8c: {  	vm13 =	vgt.f32 v4, $0.0e+00;
	v0 =	vsel vm12, v5, v0;
	[tilespmem:s5+$0x0] =	vst v1  }
0x8d: {  	s3 =	sshll.u32 s3, $0x4;
	s4 =	simm.s32 $0x0;
	v1 =	vsel vm13, v4, v2;
	[tilespmem:s5+$0x10] =	vst v0  }
0x8e: {  	s28 =	simm.s32 $0xED00;
	s29 =	simm.s32 $0x2;
	s26 =	sadd.s32 s2, s3;
	[tilespmem:s5+$0x20] =	vst v1  }
0x8f: {  	[hbm4b:s26+s4] =	stream.linear.scatter [tilespmem:s28], [sflag:$0x1], $0x2780, $0x38;
	[tilespmem:$0x13C00] =	vst v63  }
0x90: {  	_ =	swait.ge [sflag:s29], $0x4F00  }
0x91: {  	[sflag:s29] =	ssyncset.done $0x0  }
0x92: {  	s30 =	simm.s32 $0x9E00;
	[sflag:s29] =	ssyncadd.s32 $0xFFFFB100  }
0x93: {  	v0 =	vld [tilespmem:s30+$0x70]  }
0x94: {  	v1 =	vld [tilespmem:s30+$0xF0]  }
0x95: {  	v2 =	vld [tilespmem:s30+$0x80]  }
0x96: {  	v4 =	vld [tilespmem:s30+$0xA0]  }
0x97: {  	v5 =	vld [tilespmem:s30+$0xB0]  }
0x98: {  	v6 =	vld [tilespmem:s30+$0xC0]  }
0x99: {  	v9 =	vld [tilespmem:s30+$0xD0]  }
0x9a: {  	v11 =	vld [tilespmem:s30+$0xE0]  }
0x9b: {  	v13 =	vld [tilespmem:s30+$0x20]  }
0x9c: {  	s31 =	simm.s32 $0x9F00;
	v15 =	vld [tilespmem:s30+$0x30]  }
0x9d: {  	v47 =	vld [tilespmem:s31+$0x80]  }
0x9e: {  	v48 =	vld [tilespmem:s31+$0x90];
	v7 =	vshll.u32 v0, $0x1;
	v0 =	vand.u32 $0x7F, v0;
	v8 =	vshll.u32 v1, $0x1  }
0x9f: {  	v28 =	vld [tilespmem:s31+$0x20];
	v1 =	vand.u32 $0x7F, v1;
	v10 =	vshll.u32 v2, $0x1;
	v12 =	vshll.u32 v4, $0x1  }
0xa0: {  	v30 =	vld [tilespmem:s31+$0x30];
	v14 =	vshll.u32 v5, $0x1;
	v16 =	vshll.u32 v6, $0x1;
	v2 =	vand.u32 $0x7F, v2  }
0xa1: {  	v37 =	vld [tilespmem:s31+$0x50];
	v18 =	vshll.u32 v9, $0x1;
	v19 =	vshll.u32 v11, $0x1;
	v4 =	vand.u32 $0x7F, v4  }
0xa2: {  	v21 =	vshll.u32 v13, $0x1;
	v5 =	vand.u32 $0x7F, v5;
	v6 =	vand.u32 $0x7F, v6  }
0xa3: {  	v23 =	vshll.u32 v15, $0x1;
	v9 =	vand.u32 $0x7F, v9;
	v11 =	vand.u32 $0x7F, v11  }
0xa4: {  	v15 =	vand.u32 $0x7F, v15;
	v49 =	vshll.u32 v48, $0x1;
	v24 =	vand.u32 $0x7F, v47  }
0xa5: {  	v3 =	vld [tilespmem:s30+$0x90];
	v25 =	vand.u32 $0x7F, v48;
	v36 =	vshll.u32 v28, $0x1;
	v38 =	vshll.u32 v30, $0x1  }
0xa6: {  	v55 =	vshll.u32 v37, $0x1;
	v62 =	vand.u32 $0x7F, v30;
	v37 =	vand.u32 $0x7F, v37  }
0xa7: {  	v7 =	vand.u32 $0xFFFFFF00, v7;
	v8 =	vand.u32 $0xFFFFFF00, v8;
	v10 =	vand.u32 $0xFFFFFF00, v10  }
0xa8: {  	v22 =	vld [tilespmem:s30+$0x50];
	v12 =	vand.u32 $0xFFFFFF00, v12;
	v14 =	vand.u32 $0xFFFFFF00, v14;
	v16 =	vand.u32 $0xFFFFFF00, v16  }
0xa9: {  	v45 =	vld [tilespmem:s30+$0x60];
	v18 =	vand.u32 $0xFFFFFF00, v18;
	v19 =	vand.u32 $0xFFFFFF00, v19;
	v26 =	vand.u32 $0xFFFFFF00, v49  }
0xaa: {  	v46 =	vld [tilespmem:s30+$0x0];
	v0 =	vor.u32 v0, v7;
	v1 =	vor.u32 v8, v1;
	v8 =	vshll.u32 v3, $0x1  }
0xab: {  	v3 =	vand.u32 $0x7F, v3;
	v2 =	vor.u32 v10, v2;
	v4 =	vor.u32 v12, v4  }
0xac: {  	v17 =	vld [tilespmem:s30+$0x40];
	v5 =	vor.u32 v14, v5;
	v6 =	vor.u32 v16, v6;
	v1 =	vor.u32 $0x80, v1  }
0xad: {  	v32 =	vld [tilespmem:s31+$0x40];
	v9 =	vor.u32 v18, v9;
	v11 =	vor.u32 v19, v11;
	v12 =	vand.u32 $0xFFFFFF00, v21  }
0xae: {  	v39 =	vld [tilespmem:s31+$0x60];
	v14 =	vshll.u32 v22, $0x1;
	v16 =	vand.u32 $0xFFFFFF00, v23;
	v18 =	vshll.u32 v45, $0x1  }
0xaf: {  	v7 =	vld [tilespmem:s30+$0x10];
	v21 =	vand.u32 $0x7F, v46;
	v23 =	vand.u32 $0x7F, v45;
	v4 =	vor.u32 $0x80, v4  }
0xb0: {  	v25 =	vor.u32 v26, v25;
	v8 =	vand.u32 $0xFFFFFF00, v8;
	v5 =	vor.u32 $0x80, v5;
	v0 =	vld.idx.msk [tilespmem:v0+s4+$0x0], $0xffff  }
0xb1: {  	v2 =	vor.u32 $0x80, v2;
	v14 =	vand.u32 $0xFFFFFF00, v14;
	v6 =	vor.u32 $0x80, v6;
	v1 =	vld.idx.msk [tilespmem:v1+s4+$0x0], $0xffff  }
0xb2: {  	v51 =	vld [tilespmem:s31+$0x0];
	v18 =	vand.u32 $0xFFFFFF00, v18;
	v9 =	vor.u32 $0x80, v9;
	v11 =	vor.u32 $0x80, v11  }
0xb3: {  	v3 =	vor.u32 v8, v3;
	v8 =	vshll.u32 v17, $0x1;
	v18 =	vor.u32 v23, v18;
	v23 =	vld [tilespmem:s31+$0xE0]  }
0xb4: {  	v25 =	vor.u32 $0x80, v25;
	v17 =	vand.u32 $0x7F, v17;
	v8 =	vand.u32 $0xFFFFFF00, v8;
	v52 =	vld.idx.msk [tilespmem:v4+s4+$0x0], $0xffff  }
0xb5: {  	v3 =	vor.u32 $0x80, v3;
	v8 =	vor.u32 v17, v8;
	v20 =	vshll.u32 v7, $0x1;
	v53 =	vld.idx.msk [tilespmem:v5+s4+$0x0], $0xffff  }
0xb6: {  	v7 =	vand.u32 $0x7F, v7;
	v10 =	vand.u32 $0xFFFFFF00, v20;
	v54 =	vld.idx.msk [tilespmem:v6+s4+$0x0], $0xffff;
	v0 =	vadd.f32 v1, v0  }
0xb7: {  	v4 =	vshll.u32 v32, $0x1;
	v57 =	vld.idx.msk [tilespmem:v11+s4+$0x0], $0xffff;
	v11 =	vshll.u32 v39, $0x1;
	v32 =	vand.u32 $0x7F, v32  }
0xb8: {  	v7 =	vor.u32 v7, v10;
	v10 =	vld [tilespmem:s31+$0xA0];
	v1 =	vshll.u32 v46, $0x1;
	v19 =	vmul.f32 $2.000000030e-01, v0  }
0xb9: {  	v39 =	vand.u32 $0x7F, v39;
	v20 =	vand.u32 $0xFFFFFF00, v1;
	v1 =	vld.idx.msk [tilespmem:v2+s4+$0x0], $0xffff;
	vm14 =	vgt.f32 v0, $0.0e+00  }
0xba: {  	v34 =	vshll.u32 v23, $0x1;
	v2 =	vsel vm14, v0, v19;
	v0 =	vand.u32 $0x7F, v13;
	v13 =	vld [tilespmem:s31+$0x70]  }
0xbb: {  	v23 =	vand.u32 $0x7F, v23;
	v4 =	vand.u32 $0xFFFFFF00, v4;
	v19 =	vand.u32 $0x7F, v22;
	v22 =	vld [tilespmem:s31+$0xF0]  }
0xbc: {  	v60 =	vand.u32 $0xFFFFFF00, v11;
	v11 =	vand.u32 $0x7F, v51;
	v45 =	vld.idx.msk [tilespmem:v18+s4+$0x0], $0xffff;
	v34 =	vand.u32 $0xFFFFFF00, v34  }
0xbd: {  	v6 =	vor.u32 v34, v23;
	v23 =	vand.u32 $0xFFFFFF00, v36;
	v41 =	vld.idx.msk [tilespmem:v8+s4+$0x0], $0xffff;
	v50 =	vshll.u32 v10, $0x1  }
0xbe: {  	v10 =	vand.u32 $0x7F, v10;
	v40 =	vld.idx.msk [tilespmem:v7+s4+$0x0], $0xffff;
	v7 =	vor.u32 $0x80, v6;
	v0 =	vor.u32 v0, v12  }
0xbf: {  	v20 =	vor.u32 v21, v20;
	v21 =	vld [tilespmem:s31+$0xD0];
	v12 =	vor.u32 v15, v16;
	v14 =	vor.u32 v19, v14  }
0xc0: {  	v15 =	vld [tilespmem:s31+$0xB0];
	v17 =	vshll.u32 v13, $0x1;
	v13 =	vand.u32 $0x7F, v13;
	v19 =	vshll.u32 v22, $0x1  }
0xc1: {  	v16 =	vld [tilespmem:s31+$0xC0];
	v22 =	vand.u32 $0x7F, v22;
	v17 =	vand.u32 $0xFFFFFF00, v17;
	v19 =	vand.u32 $0xFFFFFF00, v19  }
0xc2: {  	v3 =	vld.idx.msk [tilespmem:v3+s4+$0x0], $0xffff;
	v6 =	vor.u32 v32, v4;
	v13 =	vor.u32 v13, v17;
	v17 =	vor.u32 v19, v22  }
0xc3: {  	v4 =	vor.u32 v39, v60;
	v27 =	vand.u32 $0xFFFFFF00, v50;
	v61 =	vld.idx.msk [tilespmem:v0+s4+$0x0], $0xffff;
	v17 =	vor.u32 $0x80, v17  }
0xc4: {  	v10 =	vor.u32 v27, v10;
	v18 =	vadd.f32 v54, v41;
	v33 =	vshll.u32 v21, $0x1;
	v63 =	vld.idx.msk [tilespmem:v12+s4+$0x0], $0xffff  }
0xc5: {  	v42 =	vor.u32 $0x80, v10;
	v21 =	vand.u32 $0x7F, v21;
	v33 =	vand.u32 $0xFFFFFF00, v33;
	v43 =	vld.idx.msk [tilespmem:v14+s4+$0x0], $0xffff  }
0xc6: {  	v21 =	vor.u32 v33, v21;
	v29 =	vshll.u32 v15, $0x1;
	v31 =	vshll.u32 v16, $0x1;
	v22 =	vld [tilespmem:s31+$0x10]  }
0xc7: {  	v15 =	vand.u32 $0x7F, v15;
	v16 =	vand.u32 $0x7F, v16;
	v0 =	vand.u32 $0x7F, v28;
	v13 =	vld.idx.msk [tilespmem:v13+s4+$0x0], $0xffff  }
0xc8: {  	v12 =	vor.u32 $0x80, v21;
	v14 =	vadd.f32 v3, v40;
	v19 =	vshll.u32 v47, $0x1;
	v17 =	vld.idx.msk [tilespmem:v17+s4+$0x0], $0xffff  }
0xc9: {  	v56 =	vld.idx.msk [tilespmem:v9+s4+$0x0], $0xffff;
	v29 =	vand.u32 $0xFFFFFF00, v29;
	v31 =	vand.u32 $0xFFFFFF00, v31;
	v19 =	vand.u32 $0xFFFFFF00, v19  }
0xca: {  	v15 =	vor.u32 v29, v15;
	v5 =	vor.u32 v31, v16;
	v31 =	vand.u32 $0xFFFFFF00, v55  }
0xcb: {  	v19 =	vor.u32 v19, v24;
	v44 =	vor.u32 $0x80, v15;
	v35 =	vshll.u32 v22, $0x1  }
0xcc: {  	v20 =	vld.idx.msk [tilespmem:v20+s4+$0x0], $0xffff;
	v19 =	vor.u32 $0x80, v19;
	v22 =	vand.u32 $0x7F, v22;
	v16 =	vand.u32 $0xFFFFFF00, v35  }
0xcd: {  	v15 =	vadd.f32 v53, v63;
	v10 =	vor.u32 v22, v16;
	v9 =	vadd.f32 v17, v13  }
0xce: {  	v16 =	vadd.f32 v56, v43;
	v22 =	vmul.f32 $2.000000030e-01, v14;
	v13 =	vshll.u32 v51, $0x1  }
0xcf: {  	s6 =	simm.s32 $0x114F0;
	v17 =	vand.u32 $0xFFFFFF00, v38;
	v59 =	vand.u32 $0xFFFFFF00, v13;
	v58 =	vmul.f32 $2.000000030e-01, v9  }
0xd0: {  	[tilespmem:s6+$0x0] =	vst v2;
	v2 =	vld.idx.msk [tilespmem:v42+s4+$0x0], $0xffff;
	v8 =	vor.u32 v62, v17;
	v17 =	vadd.f32 v52, v61;
	vm15 =	vgt.f32 v9, $0.0e+00  }
0xd1: {  	v35 =	vsel vm15, v9, v58;
	v9 =	vor.u32 v0, v23;
	v0 =	vld.idx.msk [tilespmem:v19+s4+$0x0], $0xffff;
	v19 =	vadd.f32 v1, v20  }
0xd2: {  	s5 =	simm.s32 $0x11570;
	v3 =	vld.idx.msk [tilespmem:v44+s4+$0x0], $0xffff;
	v13 =	vor.u32 $0x80, v5;
	v5 =	vor.u32 v37, v31;
	v11 =	vor.u32 v11, v59  }
0xd3: {  	s7 =	simm.s32 $0x2800;
	s8 =	simm.s32 $0xA000;
	v1 =	vld.idx.msk [tilespmem:v25+s4+$0x0], $0xffff;
	v23 =	vmul.f32 $2.000000030e-01, v17;
	v20 =	vadd.f32 v57, v45;
	[tilespmem:s5+$0x0] =	vst v35;
	v21 =	vmul.f32 $2.000000030e-01, v19  }
.LBB2_3:
0xd4: {  	v24 =	vld [tilespmem:s8+$0x70];
	vm0 =	vgt.f32 v19, $0.0e+00;
	v25 =	vmul.f32 $2.000000030e-01, v15;
	v26 =	vmul.f32 $2.000000030e-01, v18  }
0xd5: {  	s7 =	sadd.s32 $0x80, s7;
	vm1 =	vgt.f32 v14, $0.0e+00;
	v28 =	vmul.f32 $2.000000030e-01, v16;
	v27 =	vld [tilespmem:s8+$0xF0];
	v29 =	vmul.f32 $2.000000030e-01, v20  }
0xd6: {  	vm2 =	vgt.f32 v17, $0.0e+00;
	vm3 =	vgt.f32 v15, $0.0e+00;
	vm4 =	vgt.f32 v18, $0.0e+00;
	p0 =	slt.u32 s7, $0x4E80;
	v30 =	vld [tilespmem:s8+$0x80]  }
0xd7: {  	v19 =	vsel vm0, v19, v21;
	vm0 =	vgt.f32 v16, $0.0e+00;
	vm5 =	vgt.f32 v20, $0.0e+00;
	v31 =	vld [tilespmem:s8+$0x90]  }
0xd8: {  	v14 =	vsel vm1, v14, v22;
	v17 =	vsel vm2, v17, v23;
	v15 =	vsel vm3, v15, v25;
	v21 =	vld [tilespmem:s8+$0xA0];
	[tilespmem:s6+$0xFFFFFF90] =	vst v19  }
0xd9: {  	v16 =	vsel vm0, v16, v28;
	v19 =	vld [tilespmem:s8+$0xB0];
	[tilespmem:s6+$0xFFFFFFA0] =	vst v14;
	v14 =	vsel vm4, v18, v26;
	v18 =	vsel vm5, v20, v29  }
0xda: {  	v22 =	vshll.u32 v24, $0x1;
	v23 =	vand.u32 $0x7F, v24;
	v20 =	vld [tilespmem:s8+$0xC0];
	v24 =	vshll.u32 v27, $0x1;
	[tilespmem:s6+$0xFFFFFFB0] =	vst v17  }
0xdb: {  	v22 =	vand.u32 $0xFFFFFF00, v22;
	v25 =	vand.u32 $0x7F, v27;
	v17 =	vld [tilespmem:s8+$0xD0];
	v24 =	vand.u32 $0xFFFFFF00, v24;
	[tilespmem:s6+$0xFFFFFFC0] =	vst v15  }
0xdc: {  	v15 =	vshll.u32 v30, $0x1;
	v22 =	vor.u32 v23, v22;
	v26 =	vld [tilespmem:s8+$0xE0];
	v23 =	vor.u32 v24, v25;
	[tilespmem:s6+$0xFFFFFFD0] =	vst v14  }
0xdd: {  	v24 =	vshll.u32 v31, $0x1;
	v14 =	vld [tilespmem:s8+$0x10];
	v25 =	vshll.u32 v21, $0x1;
	v23 =	vor.u32 $0x80, v23;
	[tilespmem:s6+$0xFFFFFFE0] =	vst v16  }
0xde: {  	v15 =	vand.u32 $0xFFFFFF00, v15;
	v16 =	vand.u32 $0xFFFFFF00, v24;
	v24 =	vld [tilespmem:s8+$0x20];
	v27 =	vshll.u32 v19, $0x1;
	[tilespmem:s6+$0xFFFFFFF0] =	vst v18;
	s6 =	smov.u32 s5  }
0xdf: {  	v18 =	vand.u32 $0xFFFFFF00, v25;
	v25 =	vld [tilespmem:s8+$0x30];
	v27 =	vand.u32 $0xFFFFFF00, v27;
	v28 =	vshll.u32 v20, $0x1  }
0xe0: {  	v29 =	vand.u32 $0x7F, v30;
	v30 =	vld [tilespmem:s8+$0x40];
	v28 =	vand.u32 $0xFFFFFF00, v28;
	v32 =	vshll.u32 v17, $0x1  }
0xe1: {  	v31 =	vand.u32 $0x7F, v31;
	v32 =	vand.u32 $0xFFFFFF00, v32;
	v33 =	vshll.u32 v26, $0x1;
	v22 =	vld.idx.msk [tilespmem:v22+s4+$0x0], $0xffff  }
0xe2: {  	v21 =	vand.u32 $0x7F, v21;
	v34 =	vshll.u32 v14, $0x1;
	v33 =	vand.u32 $0xFFFFFF00, v33;
	v23 =	vld.idx.msk [tilespmem:v23+s4+$0x0], $0xffff  }
0xe3: {  	v19 =	vand.u32 $0x7F, v19;
	v20 =	vand.u32 $0x7F, v20;
	v35 =	vshll.u32 v24, $0x1;
	v36 =	vld [tilespmem:s8+$0x50]  }
0xe4: {  	v17 =	vand.u32 $0x7F, v17;
	v26 =	vand.u32 $0x7F, v26;
	v37 =	vshll.u32 v25, $0x1;
	v38 =	vld [tilespmem:s8+$0x60]  }
0xe5: {  	v15 =	vor.u32 v15, v29;
	v16 =	vor.u32 v16, v31;
	v39 =	vld [tilespmem:s8+$0x0];
	v29 =	vshll.u32 v30, $0x1  }
0xe6: {  	v18 =	vor.u32 v18, v21;
	v19 =	vor.u32 v27, v19;
	v20 =	vor.u32 v28, v20;
	v27 =	vld.idx.msk [tilespmem:v13+s4+$0x0], $0xffff  }
0xe7: {  	v17 =	vor.u32 v32, v17;
	v21 =	vand.u32 $0xFFFFFF00, v34;
	v26 =	vor.u32 v33, v26;
	v28 =	vld.idx.msk [tilespmem:v12+s4+$0x0], $0xffff  }
0xe8: {  	v31 =	vand.u32 $0xFFFFFF00, v35;
	v13 =	vadd.f32 v23, v22;
	v12 =	vshll.u32 v36, $0x1;
	v32 =	vld.idx.msk [tilespmem:v7+s4+$0x0], $0xffff  }
0xe9: {  	v22 =	vand.u32 $0xFFFFFF00, v37;
	v23 =	vand.u32 $0xFFFFFF00, v29;
	v7 =	vshll.u32 v38, $0x1;
	v29 =	vld.idx.msk [tilespmem:v11+s4+$0x0], $0xffff  }
0xea: {  	v33 =	vand.u32 $0xFFFFFF00, v12;
	v12 =	vmul.f32 $2.000000030e-01, v13;
	v11 =	vshll.u32 v39, $0x1;
	v34 =	vld.idx.msk [tilespmem:v10+s4+$0x0], $0xffff  }
0xeb: {  	vm0 =	vgt.f32 v13, $0.0e+00;
	v35 =	vand.u32 $0xFFFFFF00, v7;
	v10 =	vand.u32 $0xFFFFFF00, v11;
	v37 =	vld.idx.msk [tilespmem:v9+s4+$0x0], $0xffff  }
0xec: {  	s5 =	sadd.s32 $0x80, s5;
	v14 =	vand.u32 $0x7F, v14;
	v9 =	vand.u32 $0x7F, v39;
	v7 =	vsel vm0, v13, v12;
	v39 =	vld.idx.msk [tilespmem:v8+s4+$0x0], $0xffff  }
0xed: {  	v8 =	vand.u32 $0x7F, v24;
	v24 =	vand.u32 $0x7F, v25;
	v25 =	vand.u32 $0x7F, v30;
	[tilespmem:s5+$0x0] =	vst v7;
	v30 =	vld.idx.msk [tilespmem:v6+s4+$0x0], $0xffff  }
0xee: {  	v15 =	vor.u32 $0x80, v15;
	v36 =	vand.u32 $0x7F, v36;
	v38 =	vand.u32 $0x7F, v38;
	v40 =	vld.idx.msk [tilespmem:v5+s4+$0x0], $0xffff  }
0xef: {  	v16 =	vor.u32 $0x80, v16;
	v18 =	vor.u32 $0x80, v18;
	v41 =	vor.u32 $0x80, v19;
	v42 =	vld.idx.msk [tilespmem:v4+s4+$0x0], $0xffff  }
0xf0: {  	v13 =	vor.u32 $0x80, v20;
	v12 =	vor.u32 $0x80, v17;
	v7 =	vor.u32 $0x80, v26  }
0xf1: {  	v11 =	vor.u32 v9, v10;
	v10 =	vor.u32 v14, v21;
	v9 =	vor.u32 v8, v31  }
.Ltmp1:
0xf2: {  	v8 =	vor.u32 v24, v22;
	v6 =	vor.u32 v25, v23;
	v5 =	vor.u32 v36, v33;
	(pc) =	sbr.rel @p0 .LBB2_3-.Ltmp1, $4  }
0xf3: {  	v19 =	vadd.f32 v0, v29;
	v4 =	vor.u32 v38, v35;
	v14 =	vadd.f32 v1, v34;
	v0 =	vld.idx.msk [tilespmem:v15+s4+$0x0], $0xffff  }
0xf4: {  	v17 =	vadd.f32 v2, v37;
	v15 =	vadd.f32 v3, v39;
	v1 =	vld.idx.msk [tilespmem:v16+s4+$0x0], $0xffff  }
0xf5: {  	v21 =	vmul.f32 $2.000000030e-01, v19;
	v16 =	vadd.f32 v28, v40;
	v2 =	vld.idx.msk [tilespmem:v18+s4+$0x0], $0xffff;
	v18 =	vadd.f32 v27, v30  }
0xf6: {  	s8 =	sadd.s32 $0x100, s8;
	v22 =	vmul.f32 $2.000000030e-01, v14;
	v23 =	vmul.f32 $2.000000030e-01, v17;
	v20 =	vadd.f32 v32, v42;
	v3 =	vld.idx.msk [tilespmem:v41+s4+$0x0], $0xffff  }
0xf7: {  	_ =	sdelay $0x3  }
0xf8: {  	v13 =	vld.idx.msk [tilespmem:v13+s4+$0x0], $0xffff  }
0xf9: {  	v12 =	vld.idx.msk [tilespmem:v12+s4+$0x0], $0xffff  }
0xfa: {  	v11 =	vld.idx.msk [tilespmem:v11+s4+$0x0], $0xffff  }
0xfb: {  	v10 =	vld.idx.msk [tilespmem:v10+s4+$0x0], $0xffff  }
0xfc: {  	v9 =	vld.idx.msk [tilespmem:v9+s4+$0x0], $0xffff  }
0xfd: {  	vm0 =	vgt.f32 v19, $0.0e+00;
	v8 =	vld.idx.msk [tilespmem:v8+s4+$0x0], $0xffff  }
0xfe: {  	v24 =	vmul.f32 $2.000000030e-01, v15;
	v25 =	vmul.f32 $2.000000030e-01, v18;
	vm1 =	vgt.f32 v14, $0.0e+00;
	v6 =	vld.idx.msk [tilespmem:v6+s4+$0x0], $0xffff  }
0xff: {  	v26 =	vmul.f32 $2.000000030e-01, v16;
	vm2 =	vgt.f32 v17, $0.0e+00;
	vm3 =	vgt.f32 v15, $0.0e+00;
	v5 =	vld.idx.msk [tilespmem:v5+s4+$0x0], $0xffff  }
0x100: {  	vm4 =	vgt.f32 v18, $0.0e+00;
	vm7 =	vgt.f32 v16, $0.0e+00;
	v7 =	vld.idx.msk [tilespmem:v7+s4+$0x0], $0xffff;
	v19 =	vsel vm0, v19, v21  }
0x101: {  	v4 =	vld.idx.msk [tilespmem:v4+s4+$0x0], $0xffff;
	v27 =	vmul.f32 $2.000000030e-01, v20;
	v14 =	vsel vm1, v14, v22;
	v17 =	vsel vm2, v17, v23;
	[tilespmem:s6+$0xFFFFFF90] =	vst v19  }
0x102: {  	vm8 =	vgt.f32 v20, $0.0e+00;
	v15 =	vsel vm3, v15, v24;
	[tilespmem:s6+$0xFFFFFFA0] =	vst v14;
	v53 =	vsel vm4, v18, v25  }
0x103: {  	v16 =	vsel vm7, v16, v26;
	[tilespmem:s6+$0xFFFFFFB0] =	vst v17;
	v0 =	vadd.f32 v0, v11;
	v1 =	vadd.f32 v1, v10  }
0x104: {  	v54 =	vsel vm8, v20, v27;
	[tilespmem:s6+$0xFFFFFFC0] =	vst v15;
	v2 =	vadd.f32 v2, v9;
	v3 =	vadd.f32 v3, v8  }
0x105: {  	[tilespmem:s6+$0xFFFFFFD0] =	vst v53;
	v6 =	vadd.f32 v13, v6;
	v5 =	vadd.f32 v12, v5;
	v55 =	vmul.f32 $2.000000030e-01, v0  }
0x106: {  	[tilespmem:s6+$0xFFFFFFE0] =	vst v16;
	v4 =	vadd.f32 v7, v4;
	v56 =	vmul.f32 $2.000000030e-01, v1;
	vm9 =	vgt.f32 v0, $0.0e+00  }
0x107: {  	[tilespmem:s6+$0xFFFFFFF0] =	vst v54;
	v57 =	vmul.f32 $2.000000030e-01, v2;
	vm10 =	vgt.f32 v1, $0.0e+00;
	v0 =	vsel vm9, v0, v55  }
0x108: {  	v58 =	vmul.f32 $2.000000030e-01, v3;
	vm11 =	vgt.f32 v2, $0.0e+00;
	v59 =	vsel vm10, v1, v56;
	[tilespmem:s5+$0xFFFFFF90] =	vst v0  }
0x109: {  	v60 =	vmul.f32 $2.000000030e-01, v6;
	vm12 =	vgt.f32 v3, $0.0e+00;
	v2 =	vsel vm11, v2, v57;
	[tilespmem:s5+$0xFFFFFFA0] =	vst v59  }
0x10a: {  	vm13 =	vgt.f32 v6, $0.0e+00;
	v62 =	vmul.f32 $2.000000030e-01, v4;
	v3 =	vsel vm12, v3, v58;
	[tilespmem:s5+$0xFFFFFFB0] =	vst v2  }
0x10b: {  	v61 =	vmul.f32 $2.000000030e-01, v5;
	vm15 =	vgt.f32 v4, $0.0e+00;
	v1 =	vsel vm13, v6, v60;
	[tilespmem:s5+$0xFFFFFFC0] =	vst v3  }
0x10c: {  	vm14 =	vgt.f32 v5, $0.0e+00;
	v63 =	vsel vm15, v4, v62;
	[tilespmem:s5+$0xFFFFFFD0] =	vst v1  }
0x10d: {  	v0 =	vsel vm14, v5, v61;
	[tilespmem:s5+$0xFFFFFFF0] =	vst v63  }
0x10e: {  	s28 =	simm.s32 $0x1;
	[tilespmem:s5+$0xFFFFFFE0] =	vst v0  }
0x10f: {  	s2 =	sadd.s32 s3, s2;
	_ =	swait.ge [sflag:s28], $0x2780  }
0x110: {  	s29 =	simm.s32 $0x0;
	s30 =	simm.s32 $0x11480;
	[sflag:s28] =	ssyncset.done $0x0  }
0x111: {  	s31 =	simm.s32 $0x3;
	s2 =	sadd.s32 $0x4F0, s2;
	[sflag:s28] =	ssyncadd.s32 $0xFFFFD880  }
0x112: {  	[hbm4b:s2+s29] =	stream.linear.scatter [tilespmem:s30], [sflag:$0x3], $0x2780, $0x38;
	[tilespmem:$0x13C00] =	vst v63  }
0x113: {  	_ =	swait.ge [sflag:s31], $0x2780  }
0x114: {  	[sflag:s31] =	ssyncset.done $0x0  }
0x115: {  	[sflag:s31] =	ssyncadd.s32 $0xFFFFD880  }
0x116: {  	_ =	sfence.sel $0x180000  }
0x117: {  	[bflag:$0x0] =	sbarrier.arrive $0xFFFF  }
0x118: {  	p0 =	sne.s32 s1, $0x0;
	_ =	strace $0x90000047  }
0x119: {  	s0 =	sadd.s32 @!p0 $0x100000, s0;
	[bflag:$0x2] =	sbarrier.arrive $0xFFFF  }
0x11a: {  	[sflag:s0] =	ssyncadd.tile.s32 @!p0 $0x1;
	_ =	shalt  }
.Lfunc_end2:
_tile_overlayer_lowered:
.L_overlay_start_2:
0x11b: {  	(tag) =	ssettag $0x2  }
0x11c: {  	s0 =	rddreg [dreg:$0x0];
	s2 =	stileid.u32  }
0x11d: {  	s1 =	rddreg [dreg:$0x1];
	p0 =	sne.s32 s2, $0x0  }
0x11e: {  	s3 =	rddreg [dreg:$0x2];
	[bflag:$0x3] =	sbarrier.arrive $0xFFFF;
	s2 =	simm.s32 @!p0 $0x1C03  }
0x11f: {  	[timem:s3], [sflag:s2] =	dma.local @!p0 [hbm:s0], s1  }
0x120: {  	s0 =	simm.s32 @!p0 $0x3  }
0x121: {  	_ =	swait.ge @!p0 [sflag:s0], s1  }
0x122: {  	s1 =	ssub.s32 @!p0 $0x0, s1;
	[sflag:s0] =	ssyncset.done @!p0 $0x0  }
0x123: {  	[sflag:s0] =	ssyncadd.s32 @!p0 s1  }
0x124: {  	[bflag:$0x3] =	sbarrier.arrive $0xFFFF  }
0x125: {  	_ =	shalt  }

</sc_bundles>
